<compile_context>
chip_gen: v7x
topology: tpu7x:2x2x1
jax: 0.10.2.dev20260603
libtpu: 0.0.44.dev20260713+nightly
codegen_flags: <defaults>
</compile_context>

<pallas_src>
import functools

import jax
import jax.numpy as jnp
from jax import lax
from jax.experimental import pallas as pl
from jax.experimental.pallas import tpu as pltpu
from jax.experimental.pallas import tpu_sc as plsc

_E = 8
_T = 4096
_D = 1024
_H = 512
_BT = 512
_BTG = 256
_NBP = 40
_NROWS = _NBP * _BTG
_TS = _T // 2
_NW = 32
_TPW = _T // _NW
_TPWC = _TS // _NW
_CD = 64
_CC = 32
_D2 = _D // 2


def _router_body(x_ref, sw_ref, tril_ref, triu_ref, xbf_ref, dsta_ref,
                 dstb_ref, ga_ref, gb_ref, blk_ref, carry, gate_s, krank_s,
                 grank_s):
    i = pl.program_id(0)
    nb = _T // _BT

    @pl.when(i == 0)
    def _init():
        carry[...] = jnp.zeros_like(carry)

    @pl.when(i < nb)
    def _route():
        xl = x_ref[:, :_D2].astype(jnp.bfloat16).astype(jnp.float32)
        xh = x_ref[:, _D2:].astype(jnp.bfloat16).astype(jnp.float32)
        ul = jax.lax.bitcast_convert_type(xl, jnp.uint32) >> 16
        uh = jax.lax.bitcast_convert_type(
            xh, jnp.uint32) & jnp.uint32(0xFFFF0000)
        xbf_ref[...] = jax.lax.bitcast_convert_type(ul | uh, jnp.int32)
        logits = jax.lax.dot_general(
            x_ref[...], sw_ref[...], (((1,), (1,)), ((), ())),
            preferred_element_type=jnp.float32)
        eidx = jax.lax.broadcasted_iota(jnp.int32, logits.shape, 1)
        krank = jnp.zeros_like(logits)
        for j in range(_E):
            vj = logits[:, j:j + 1]
            beats = (vj > logits) | ((vj == logits) & (j < eidx))
            krank += beats.astype(jnp.float32)
        sl = pl.ds(i * _BT, _BT)
        gate_s[sl, :] = jnp.where(krank < 2.0, jax.nn.sigmoid(logits), 0.0)
        krank_s[sl, :] = krank

        ind = (krank < 2.0).astype(jnp.float32)
        local = jax.lax.dot_general(
            tril_ref[...], ind, (((1,), (0,)), ((), ())),
            preferred_element_type=jnp.float32)
        grank_s[sl, :] = local + carry[...]
        carry[...] += jnp.sum(ind, axis=0, keepdims=True)

    @pl.when(i == nb)
    def _prep():
        counts = carry[...]
        pc = jnp.floor((counts + (_BTG - 1.0)) / _BTG)
        offb = jax.lax.dot_general(
            pc, triu_ref[...], (((1,), (0,)), ((), ())),
            preferred_element_type=jnp.float32)

        gate = gate_s[...]
        krank = krank_s[...]
        grank = grank_s[...]
        sel = krank < 2.0
        eidx = jax.lax.broadcasted_iota(jnp.int32, gate.shape, 1).astype(
            jnp.float32)
        e_a = jnp.min(jnp.where(sel, eidx, 99.0), axis=1, keepdims=True)
        e_b = jnp.max(jnp.where(sel, eidx, -1.0), axis=1, keepdims=True)
        m_a = (eidx == e_a).astype(jnp.float32)
        m_b = (eidx == e_b).astype(jnp.float32)
        ga_ref[...] = jnp.sum(gate * m_a, axis=1, keepdims=True)
        gb_ref[...] = jnp.sum(gate * m_b, axis=1, keepdims=True)
        off_a = jnp.sum(offb * m_a, axis=1, keepdims=True) * _BTG
        off_b = jnp.sum(offb * m_b, axis=1, keepdims=True) * _BTG
        r_a = jnp.sum(grank * m_a, axis=1, keepdims=True)
        r_b = jnp.sum(grank * m_b, axis=1, keepdims=True)
        dsta_ref[...] = (off_a + r_a).astype(jnp.int32)
        dstb_ref[...] = (off_b + r_b).astype(jnp.int32)

        b_io = jax.lax.broadcasted_iota(jnp.int32, (_NBP, 1), 0).astype(
            jnp.float32)
        cnt = jnp.sum((b_io >= offb).astype(jnp.float32), axis=1,
                      keepdims=True)
        blk_ref[...] = (cnt - 1.0).astype(jnp.int32)


def _run_router(xt, expert_sel):
    r = jax.lax.broadcasted_iota(jnp.int32, (_BT, _BT), 0)
    c = jax.lax.broadcasted_iota(jnp.int32, (_BT, _BT), 1)
    tril = (c < r).astype(jnp.float32)
    r8 = jax.lax.broadcasted_iota(jnp.int32, (_E, _E), 0)
    c8 = jax.lax.broadcasted_iota(jnp.int32, (_E, _E), 1)
    triu = (r8 < c8).astype(jnp.float32)
    nb = _T // _BT
    last = nb - 1
    return pl.pallas_call(
        _router_body,
        grid=(nb + 1,),
        in_specs=[
            pl.BlockSpec((_BT, _D), lambda i: (jnp.minimum(i, last), 0)),
            pl.BlockSpec((_E, _D), lambda i: (0, 0)),
            pl.BlockSpec((_BT, _BT), lambda i: (0, 0)),
            pl.BlockSpec((_E, _E), lambda i: (0, 0)),
        ],
        out_specs=[
            pl.BlockSpec((_BT, _D2), lambda i: (jnp.minimum(i, last), 0)),
            pl.BlockSpec((_T, 1), lambda i: (0, 0)),
            pl.BlockSpec((_T, 1), lambda i: (0, 0)),
            pl.BlockSpec((_T, 1), lambda i: (0, 0)),
            pl.BlockSpec((_T, 1), lambda i: (0, 0)),
            pl.BlockSpec((_NBP, 1), lambda i: (0, 0)),
        ],
        out_shape=[
            jax.ShapeDtypeStruct((_T, _D2), jnp.int32),
            jax.ShapeDtypeStruct((_T, 1), jnp.int32),
            jax.ShapeDtypeStruct((_T, 1), jnp.int32),
            jax.ShapeDtypeStruct((_T, 1), jnp.float32),
            jax.ShapeDtypeStruct((_T, 1), jnp.float32),
            jax.ShapeDtypeStruct((_NBP, 1), jnp.int32),
        ],
        scratch_shapes=[
            pltpu.VMEM((1, _E), jnp.float32),
            pltpu.VMEM((_T, _E), jnp.float32),
            pltpu.VMEM((_T, _E), jnp.float32),
            pltpu.VMEM((_T, _E), jnp.float32),
        ],
    )(xt, expert_sel, tril, triu)


@functools.lru_cache(maxsize=1)
def _make_sc_dispatch():
    @functools.partial(
        pl.kernel,
        mesh=plsc.VectorSubcoreMesh(core_axis_name="c", subcore_axis_name="s"),
        out_type=jax.ShapeDtypeStruct((_NROWS, _D2), jnp.int32),
        scratch_types=[
            pltpu.VMEM((_CD, _D2), jnp.int32),
            pltpu.VMEM((_CD, _D2), jnp.int32),
            pltpu.VMEM((_CD,), jnp.int32),
            pltpu.VMEM((_CD,), jnp.int32),
            pltpu.VMEM((_CD,), jnp.int32),
            pltpu.VMEM((_CD,), jnp.int32),
            pltpu.SemaphoreType.DMA,
            pltpu.SemaphoreType.DMA,
        ],
    )
    def dispatch(x_hbm, dsta_hbm, dstb_hbm, xs_hbm, rows0, rows1, ia0, ib0,
                 ia1, ib1, sem_l, sem_s):
        rows = (rows0, rows1)
        ia = (ia0, ia1)
        ib = (ib0, ib1)
        wid = lax.axis_index("s") * 2 + lax.axis_index("c")
        base = wid * _TPW
        nch = _TPW // _CD
        pltpu.sync_copy(dsta_hbm.at[pl.ds(base, _CD)], ia0)
        pltpu.sync_copy(dstb_hbm.at[pl.ds(base, _CD)], ib0)
        ld = pltpu.async_copy(x_hbm.at[pl.ds(base, _CD)], rows0, sem_l)
        pend = [None, None]
        for c in range(nch):
            p = c % 2
            q = 1 - p
            ld.wait()
            sa = pltpu.async_copy(rows[p], xs_hbm.at[ia[p]], sem_s)
            sb = pltpu.async_copy(rows[p], xs_hbm.at[ib[p]], sem_s)
            pend[p] = (sa, sb)
            if c + 1 < nch:
                if pend[q] is not None:
                    pend[q][0].wait()
                    pend[q][1].wait()
                    pend[q] = None
                off1 = base + (c + 1) * _CD
                pltpu.sync_copy(dsta_hbm.at[pl.ds(off1, _CD)], ia[q])
                pltpu.sync_copy(dstb_hbm.at[pl.ds(off1, _CD)], ib[q])
                ld = pltpu.async_copy(x_hbm.at[pl.ds(off1, _CD)], rows[q],
                                      sem_l)
        for pp in pend:
            if pp is not None:
                pp[0].wait()
                pp[1].wait()

    return dispatch


@functools.lru_cache(maxsize=1)
def _make_sc_combine():
    @functools.partial(
        pl.kernel,
        mesh=plsc.VectorSubcoreMesh(core_axis_name="c", subcore_axis_name="s"),
        out_type=[
            jax.ShapeDtypeStruct((_T, _D2), jnp.int32),
            jax.ShapeDtypeStruct((_T, _D2), jnp.int32),
        ],
        scratch_types=[
            pltpu.VMEM((_CC, _D2), jnp.int32),
            pltpu.VMEM((_CC, _D2), jnp.int32),
            pltpu.VMEM((_CC, _D2), jnp.int32),
            pltpu.VMEM((_CC, _D2), jnp.int32),
            pltpu.VMEM((_CC,), jnp.int32),
            pltpu.VMEM((_CC,), jnp.int32),
            pltpu.VMEM((_CC,), jnp.int32),
            pltpu.VMEM((_CC,), jnp.int32),
            pltpu.SemaphoreType.DMA,
            pltpu.SemaphoreType.DMA,
        ],
    )
    def combine(ys_hbm, dsta_hbm, dstb_hbm, a_hbm, b_hbm, ra0, rb0, ra1, rb1,
                ia0, ib0, ia1, ib1, sem_g, sem_s):
        ra = (ra0, ra1)
        rb = (rb0, rb1)
        ia = (ia0, ia1)
        ib = (ib0, ib1)
        wid = lax.axis_index("s") * 2 + lax.axis_index("c")
        rbase = wid * _TPW
        wbase = wid * _TPW
        nch = _TPW // _CC
        pltpu.sync_copy(dsta_hbm.at[pl.ds(rbase, _CC)], ia0)
        pltpu.sync_copy(dstb_hbm.at[pl.ds(rbase, _CC)], ib0)
        ga = pltpu.async_copy(ys_hbm.at[ia0], ra0, sem_g)
        gb = pltpu.async_copy(ys_hbm.at[ib0], rb0, sem_g)
        pend = [None, None]
        for c in range(nch):
            p = c % 2
            q = 1 - p
            off = wbase + c * _CC
            ga.wait()
            gb.wait()
            sa = pltpu.async_copy(ra[p], a_hbm.at[pl.ds(off, _CC)], sem_s)
            sb = pltpu.async_copy(rb[p], b_hbm.at[pl.ds(off, _CC)], sem_s)
            pend[p] = (sa, sb)
            if c + 1 < nch:
                if pend[q] is not None:
                    pend[q][0].wait()
                    pend[q][1].wait()
                    pend[q] = None
                off1 = rbase + (c + 1) * _CC
                pltpu.sync_copy(dsta_hbm.at[pl.ds(off1, _CC)], ia[q])
                pltpu.sync_copy(dstb_hbm.at[pl.ds(off1, _CC)], ib[q])
                ga = pltpu.async_copy(ys_hbm.at[ia[q]], ra[q], sem_g)
                gb = pltpu.async_copy(ys_hbm.at[ib[q]], rb[q], sem_g)
        for pp in pend:
            if pp is not None:
                pp[0].wait()
                pp[1].wait()

    return combine


def _unpack_halves(pk):
    u = jax.lax.bitcast_convert_type(pk, jnp.uint32)
    lo = jax.lax.bitcast_convert_type(u << 16, jnp.float32)
    hi = jax.lax.bitcast_convert_type(u & jnp.uint32(0xFFFF0000), jnp.float32)
    return lo, hi


def _pack_halves(lo, hi):
    ul = jax.lax.bitcast_convert_type(
        lo.astype(jnp.bfloat16).astype(jnp.float32), jnp.uint32) >> 16
    uh = jax.lax.bitcast_convert_type(
        hi.astype(jnp.bfloat16).astype(jnp.float32),
        jnp.uint32) & jnp.uint32(0xFFFF0000)
    return jax.lax.bitcast_convert_type(ul | uh, jnp.int32)


def _group_body(blk_ref, xs_ref, w1_ref, b1_ref, w2_ref, b2_ref, ys_ref):
    xlo, xhi = _unpack_halves(xs_ref[...])
    xb = jnp.concatenate([xlo, xhi], axis=1).astype(jnp.bfloat16)
    h = jax.lax.dot_general(
        xb, w1_ref[0].astype(jnp.bfloat16), (((1,), (1,)), ((), ())),
        preferred_element_type=jnp.float32)
    h = jnp.maximum(h + b1_ref[0], 0.0).astype(jnp.bfloat16)
    y = jax.lax.dot_general(
        h, w2_ref[0].astype(jnp.bfloat16), (((1,), (1,)), ((), ())),
        preferred_element_type=jnp.float32)
    y = y + b2_ref[0]
    ys_ref[...] = _pack_halves(y[:, :_D2], y[:, _D2:])


def _run_group(blkmap, xs, w1, b1, w2, b2):
    grid_spec = pltpu.PrefetchScalarGridSpec(
        num_scalar_prefetch=1,
        grid=(_NBP,),
        in_specs=[
            pl.BlockSpec((_BTG, _D2), lambda b, m: (b, 0)),
            pl.BlockSpec((1, _H, _D), lambda b, m: (m[b], 0, 0)),
            pl.BlockSpec((1, 1, _H), lambda b, m: (m[b], 0, 0)),
            pl.BlockSpec((1, _D, _H), lambda b, m: (m[b], 0, 0)),
            pl.BlockSpec((1, 1, _D), lambda b, m: (m[b], 0, 0)),
        ],
        out_specs=pl.BlockSpec((_BTG, _D2), lambda b, m: (b, 0)),
    )
    return pl.pallas_call(
        _group_body,
        grid_spec=grid_spec,
        out_shape=jax.ShapeDtypeStruct((_NROWS, _D2), jnp.int32),
    )(blkmap, xs, w1, b1.reshape(_E, 1, _H), w2, b2.reshape(_E, 1, _D))


def _add_body(a_ref, b_ref, ga_ref, gb_ref, o_ref):
    alo, ahi = _unpack_halves(a_ref[...])
    blo, bhi = _unpack_halves(b_ref[...])
    ga = ga_ref[...]
    gb = gb_ref[...]
    o_ref[...] = jnp.concatenate(
        [ga * alo + gb * blo, ga * ahi + gb * bhi], axis=1)


def _run_add(a, b, ga, gb):
    return pl.pallas_call(
        _add_body,
        grid=(_T // _BT,),
        in_specs=[
            pl.BlockSpec((_BT, _D2), lambda i: (i, 0)),
            pl.BlockSpec((_BT, _D2), lambda i: (i, 0)),
            pl.BlockSpec((_BT, 1), lambda i: (i, 0)),
            pl.BlockSpec((_BT, 1), lambda i: (i, 0)),
        ],
        out_specs=pl.BlockSpec((_BT, _D), lambda i: (i, 0)),
        out_shape=jax.ShapeDtypeStruct((_T, _D), jnp.float32),
    )(a, b, ga, gb)


def kernel(x, expert_sel, w1, b1, w2, b2):
    B, S, D = x.shape
    xt = x.reshape(B * S, D)
    xbf, dsta, dstb, ga, gb, blkmap = _run_router(xt, expert_sel)
    dsta = dsta.reshape(_T)
    dstb = dstb.reshape(_T)
    xs = _make_sc_dispatch()(xbf, dsta, dstb)
    ys = _run_group(blkmap.reshape(_NBP), xs, w1, b1, w2, b2)
    ya, yb = _make_sc_combine()(ys, dsta, dstb)
    out = _run_add(ya, yb, ga, gb)
    return out.reshape(B, S, D), jnp.array(0.0, dtype=x.dtype)

# --- scband reference (transcript-rebuilt; emitter-appended) ---
"""Pipeline reference for scband-sigma-mo-e-88562225643867 (READ-ONLY COPY).

The authoritative reference and input builder live on the scoring server;
editing this copy changes nothing except your own understanding.
"""

import jax, jax.numpy as jnp
import numpy as np


def setup_inputs(seed: int = 0) -> dict:
    key = jax.random.key(seed)
    ks = jax.random.split(key, 5)
    x = jax.random.normal(ks[0], (2, 2048, 1024), dtype=jnp.float32)
    # expert_sel ~ N(0, 1/sqrt(k_dim)) per reset_parameters
    expert_sel = jax.random.normal(ks[1], (8, 1024), dtype=jnp.float32) / np.sqrt(1024.0)
    # per-expert FFN params: Linear(dmodel->expert_size), ReLU, Linear(expert_size->dmodel)
    w1 = jax.random.normal(ks[2], (8, 512, 1024), dtype=jnp.float32) * np.sqrt(2.0 / 1024.0)
    b1 = jnp.zeros((8, 512), dtype=jnp.float32)
    w2 = jax.random.normal(ks[3], (8, 1024, 512), dtype=jnp.float32) * np.sqrt(1.0 / 512.0)
    b2 = jnp.zeros((8, 1024), dtype=jnp.float32)
    return {"x": x, "expert_sel": expert_sel, "w1": w1, "b1": b1, "w2": w2, "b2": b2}


def reference(x, expert_sel, w1, b1, w2, b2):
    # Eval-mode forward of SigmaMoE: no expert_dropout, no sel_hist (reg loss == 0.0)
    k = 2
    B, S, D = x.shape
    E = expert_sel.shape[0]
    xt = x.reshape(B * S, D)
    sel = jax.nn.sigmoid(xt @ expert_sel.T)  # [T, E]
    sel_vals, sel_idx = jax.lax.top_k(sel, k)  # [T, k]
    # Build per-token, per-expert gate: sum_i sel_val_i * onehot(sel_idx_i)
    gate = jnp.zeros((B * S, E), dtype=x.dtype)
    for i in range(k):
        gate = gate + sel_vals[:, i:i + 1] * jax.nn.one_hot(sel_idx[:, i], E, dtype=x.dtype)
    # Dense-per-expert computation, masked/weighted by gate.
    # Mathematically identical to output += expert_{idx_i}(x) * sel_val_i over the k heads.
    h = jax.nn.relu(jnp.einsum('td,ehd->teh', xt, w1) + b1[None, :, :])  # [T, E, H]
    out_all = jnp.einsum('teh,evh->tev', h, w2) + b2[None, :, :]         # [T, E, D]
    output = jnp.einsum('tev,te->tv', out_all, gate)                     # [T, D]
    output = output.reshape(B, S, D)
    return (output, jnp.array(0.0, dtype=x.dtype))

if __name__ == "__main__":
    import jax
    _d = setup_inputs()
    print(jax.jit(kernel)(*tuple(_d.values())))

</pallas_src>

<mosaic_0001>
#map = affine_map<(d0, d1) -> (0, 0)>
#map1 = affine_map<(d0, d1) -> (0)>
module attributes {stable_mosaic.version = 14 : i64} {
  func.func @dispatch(%arg0: i32, %arg1: i32, %arg2: memref<4096x512xi32, #tpu.memory_space<hbm>>, %arg3: memref<4096xi32, #tpu.memory_space<hbm>>, %arg4: memref<4096xi32, #tpu.memory_space<hbm>>, %arg5: memref<10240x512xi32, #tpu.memory_space<hbm>>, %arg6: memref<64x512xi32, #tpu.memory_space<vmem>>, %arg7: memref<64x512xi32, #tpu.memory_space<vmem>>, %arg8: memref<64xi32, #tpu.memory_space<vmem>>, %arg9: memref<64xi32, #tpu.memory_space<vmem>>, %arg10: memref<64xi32, #tpu.memory_space<vmem>>, %arg11: memref<64xi32, #tpu.memory_space<vmem>>, %arg12: memref<!tpu.dma_semaphore, #tpu.memory_space<semaphore_mem>>, %arg13: memref<!tpu.dma_semaphore, #tpu.memory_space<semaphore_mem>>) attributes {dimension_semantics = [#tpu.dimension_semantics<core_parallel>, #tpu.dimension_semantics<subcore_parallel>], iteration_bounds = array<i64: 2, 16>, scalar_prefetch = 0 : i64, scratch_operands = 8 : i64, tpu.core_type = #tpu.core_type<sc_vector_subcore>, window_params = [{transform_indices = #map}, {transform_indices = #map1}, {transform_indices = #map1}, {transform_indices = #map}]} {
    %mul3A = arith.constant 2 : i32
    %mul3A_0 = arith.muli %arg1, %mul3A : i32
    %add3A = arith.addi %mul3A_0, %arg0 : i32
    %mul3A_1 = arith.constant 128 : i32
    %mul3A_2 = arith.muli %add3A, %mul3A_1 : i32
    "tpu.region"() ({
      %run_scoped3A = tpu.sem_alloc : memref<!tpu.dma_semaphore, #tpu.memory_space<semaphore_mem>>
      %dma_start3A_43 = tpu.memref_slice %arg3[%mul3A_2] : memref<4096xi32, #tpu.memory_space<hbm>> -> memref<64xi32, #tpu.memory_space<hbm>>
      %dma_start3A_44 = tpu.memref_slice %arg3[%mul3A_2] : memref<4096xi32, #tpu.memory_space<hbm>> -> memref<64xi32, #tpu.memory_space<hbm>>
      tpu.enqueue_dma source(%dma_start3A_44 : memref<64xi32, #tpu.memory_space<hbm>>) target(%arg8 : memref<64xi32, #tpu.memory_space<vmem>>) target_semaphore(%run_scoped3A : memref<!tpu.dma_semaphore, #tpu.memory_space<semaphore_mem>>)
      %dma_wait3A_45 = tpu.memref_slice %arg3[%mul3A_2] : memref<4096xi32, #tpu.memory_space<hbm>> -> memref<64xi32, #tpu.memory_space<hbm>>
      %dma_wait3A_46 = tpu.memref_slice %arg3[%mul3A_2] : memref<4096xi32, #tpu.memory_space<hbm>> -> memref<64xi32, #tpu.memory_space<hbm>>
      tpu.wait_dma2 semaphore(%run_scoped3A : memref<!tpu.dma_semaphore, #tpu.memory_space<semaphore_mem>>) src(%dma_wait3A_46 : memref<64xi32, #tpu.memory_space<hbm>>) dst(%arg8 : memref<64xi32, #tpu.memory_space<vmem>>)
      tpu.yield
    }) : () -> ()
    "tpu.region"() ({
      %run_scoped3A = tpu.sem_alloc : memref<!tpu.dma_semaphore, #tpu.memory_space<semaphore_mem>>
      %dma_start3A_43 = tpu.memref_slice %arg4[%mul3A_2] : memref<4096xi32, #tpu.memory_space<hbm>> -> memref<64xi32, #tpu.memory_space<hbm>>
      %dma_start3A_44 = tpu.memref_slice %arg4[%mul3A_2] : memref<4096xi32, #tpu.memory_space<hbm>> -> memref<64xi32, #tpu.memory_space<hbm>>
      tpu.enqueue_dma source(%dma_start3A_44 : memref<64xi32, #tpu.memory_space<hbm>>) target(%arg9 : memref<64xi32, #tpu.memory_space<vmem>>) target_semaphore(%run_scoped3A : memref<!tpu.dma_semaphore, #tpu.memory_space<semaphore_mem>>)
      %dma_wait3A_45 = tpu.memref_slice %arg4[%mul3A_2] : memref<4096xi32, #tpu.memory_space<hbm>> -> memref<64xi32, #tpu.memory_space<hbm>>
      %dma_wait3A_46 = tpu.memref_slice %arg4[%mul3A_2] : memref<4096xi32, #tpu.memory_space<hbm>> -> memref<64xi32, #tpu.memory_space<hbm>>
      tpu.wait_dma2 semaphore(%run_scoped3A : memref<!tpu.dma_semaphore, #tpu.memory_space<semaphore_mem>>) src(%dma_wait3A_46 : memref<64xi32, #tpu.memory_space<hbm>>) dst(%arg9 : memref<64xi32, #tpu.memory_space<vmem>>)
      tpu.yield
    }) : () -> ()
    %dma_start3A = arith.constant 0 : i32
    %dma_start3A_3 = tpu.memref_slice %arg2[%mul3A_2, %dma_start3A] : memref<4096x512xi32, #tpu.memory_space<hbm>> -> memref<64x512xi32, #tpu.memory_space<hbm>>
    %dma_start3A_4 = arith.constant 0 : i32
    %dma_start3A_5 = tpu.memref_slice %arg2[%mul3A_2, %dma_start3A_4] : memref<4096x512xi32, #tpu.memory_space<hbm>> -> memref<64x512xi32, #tpu.memory_space<hbm>>
    tpu.enqueue_dma source(%dma_start3A_5 : memref<64x512xi32, #tpu.memory_space<hbm>>) target(%arg6 : memref<64x512xi32, #tpu.memory_space<vmem>>) target_semaphore(%arg12 : memref<!tpu.dma_semaphore, #tpu.memory_space<semaphore_mem>>)
    %dma_wait3A = arith.constant 0 : i32
    %dma_wait3A_6 = tpu.memref_slice %arg2[%mul3A_2, %dma_wait3A] : memref<4096x512xi32, #tpu.memory_space<hbm>> -> memref<64x512xi32, #tpu.memory_space<hbm>>
    %dma_wait3A_7 = arith.constant 0 : i32
    %dma_wait3A_8 = tpu.memref_slice %arg2[%mul3A_2, %dma_wait3A_7] : memref<4096x512xi32, #tpu.memory_space<hbm>> -> memref<64x512xi32, #tpu.memory_space<hbm>>
    tpu.wait_dma2 semaphore(%arg12 : memref<!tpu.dma_semaphore, #tpu.memory_space<semaphore_mem>>) src(%dma_wait3A_8 : memref<64x512xi32, #tpu.memory_space<hbm>>) dst(%arg6 : memref<64x512xi32, #tpu.memory_space<vmem>>)
    %dma_start3A_9 = arith.constant 0 : i32
    %dma_start3A_10 = arith.constant 0 : i32
    %dma_start3A_11 = tpu.memref_slice %arg5[%dma_start3A_9, %dma_start3A_10] : memref<10240x512xi32, #tpu.memory_space<hbm>> -> memref<10240x512xi32, #tpu.memory_space<hbm>>
    tpu.enqueue_indirect_dma source(%arg6 : memref<64x512xi32, #tpu.memory_space<vmem>>) target(%dma_start3A_11 : memref<10240x512xi32, #tpu.memory_space<hbm>>) offsets(%arg8 : memref<64xi32, #tpu.memory_space<vmem>>) semaphore(%arg13 : memref<!tpu.dma_semaphore, #tpu.memory_space<semaphore_mem>>)
    %dma_start3A_12 = arith.constant 0 : i32
    %dma_start3A_13 = arith.constant 0 : i32
    %dma_start3A_14 = tpu.memref_slice %arg5[%dma_start3A_12, %dma_start3A_13] : memref<10240x512xi32, #tpu.memory_space<hbm>> -> memref<10240x512xi32, #tpu.memory_space<hbm>>
    tpu.enqueue_indirect_dma source(%arg6 : memref<64x512xi32, #tpu.memory_space<vmem>>) target(%dma_start3A_14 : memref<10240x512xi32, #tpu.memory_space<hbm>>) offsets(%arg9 : memref<64xi32, #tpu.memory_space<vmem>>) semaphore(%arg13 : memref<!tpu.dma_semaphore, #tpu.memory_space<semaphore_mem>>)
    %add3A_15 = arith.constant 64 : i32
    %add3A_16 = arith.addi %mul3A_2, %add3A_15 : i32
    "tpu.region"() ({
      %run_scoped3A = tpu.sem_alloc : memref<!tpu.dma_semaphore, #tpu.memory_space<semaphore_mem>>
      %dma_start3A_43 = tpu.memref_slice %arg3[%add3A_16] : memref<4096xi32, #tpu.memory_space<hbm>> -> memref<64xi32, #tpu.memory_space<hbm>>
      %dma_start3A_44 = tpu.memref_slice %arg3[%add3A_16] : memref<4096xi32, #tpu.memory_space<hbm>> -> memref<64xi32, #tpu.memory_space<hbm>>
      tpu.enqueue_dma source(%dma_start3A_44 : memref<64xi32, #tpu.memory_space<hbm>>) target(%arg10 : memref<64xi32, #tpu.memory_space<vmem>>) target_semaphore(%run_scoped3A : memref<!tpu.dma_semaphore, #tpu.memory_space<semaphore_mem>>)
      %dma_wait3A_45 = tpu.memref_slice %arg3[%add3A_16] : memref<4096xi32, #tpu.memory_space<hbm>> -> memref<64xi32, #tpu.memory_space<hbm>>
      %dma_wait3A_46 = tpu.memref_slice %arg3[%add3A_16] : memref<4096xi32, #tpu.memory_space<hbm>> -> memref<64xi32, #tpu.memory_space<hbm>>
      tpu.wait_dma2 semaphore(%run_scoped3A : memref<!tpu.dma_semaphore, #tpu.memory_space<semaphore_mem>>) src(%dma_wait3A_46 : memref<64xi32, #tpu.memory_space<hbm>>) dst(%arg10 : memref<64xi32, #tpu.memory_space<vmem>>)
      tpu.yield
    }) : () -> ()
    "tpu.region"() ({
      %run_scoped3A = tpu.sem_alloc : memref<!tpu.dma_semaphore, #tpu.memory_space<semaphore_mem>>
      %dma_start3A_43 = tpu.memref_slice %arg4[%add3A_16] : memref<4096xi32, #tpu.memory_space<hbm>> -> memref<64xi32, #tpu.memory_space<hbm>>
      %dma_start3A_44 = tpu.memref_slice %arg4[%add3A_16] : memref<4096xi32, #tpu.memory_space<hbm>> -> memref<64xi32, #tpu.memory_space<hbm>>
      tpu.enqueue_dma source(%dma_start3A_44 : memref<64xi32, #tpu.memory_space<hbm>>) target(%arg11 : memref<64xi32, #tpu.memory_space<vmem>>) target_semaphore(%run_scoped3A : memref<!tpu.dma_semaphore, #tpu.memory_space<semaphore_mem>>)
      %dma_wait3A_45 = tpu.memref_slice %arg4[%add3A_16] : memref<4096xi32, #tpu.memory_space<hbm>> -> memref<64xi32, #tpu.memory_space<hbm>>
      %dma_wait3A_46 = tpu.memref_slice %arg4[%add3A_16] : memref<4096xi32, #tpu.memory_space<hbm>> -> memref<64xi32, #tpu.memory_space<hbm>>
      tpu.wait_dma2 semaphore(%run_scoped3A : memref<!tpu.dma_semaphore, #tpu.memory_space<semaphore_mem>>) src(%dma_wait3A_46 : memref<64xi32, #tpu.memory_space<hbm>>) dst(%arg11 : memref<64xi32, #tpu.memory_space<vmem>>)
      tpu.yield
    }) : () -> ()
    %dma_start3A_17 = arith.constant 0 : i32
    %dma_start3A_18 = tpu.memref_slice %arg2[%add3A_16, %dma_start3A_17] : memref<4096x512xi32, #tpu.memory_space<hbm>> -> memref<64x512xi32, #tpu.memory_space<hbm>>
    %dma_start3A_19 = arith.constant 0 : i32
    %dma_start3A_20 = tpu.memref_slice %arg2[%add3A_16, %dma_start3A_19] : memref<4096x512xi32, #tpu.memory_space<hbm>> -> memref<64x512xi32, #tpu.memory_space<hbm>>
    tpu.enqueue_dma source(%dma_start3A_20 : memref<64x512xi32, #tpu.memory_space<hbm>>) target(%arg7 : memref<64x512xi32, #tpu.memory_space<vmem>>) target_semaphore(%arg12 : memref<!tpu.dma_semaphore, #tpu.memory_space<semaphore_mem>>)
    %dma_wait3A_21 = arith.constant 0 : i32
    %dma_wait3A_22 = tpu.memref_slice %arg2[%add3A_16, %dma_wait3A_21] : memref<4096x512xi32, #tpu.memory_space<hbm>> -> memref<64x512xi32, #tpu.memory_space<hbm>>
    %dma_wait3A_23 = arith.constant 0 : i32
    %dma_wait3A_24 = tpu.memref_slice %arg2[%add3A_16, %dma_wait3A_23] : memref<4096x512xi32, #tpu.memory_space<hbm>> -> memref<64x512xi32, #tpu.memory_space<hbm>>
    tpu.wait_dma2 semaphore(%arg12 : memref<!tpu.dma_semaphore, #tpu.memory_space<semaphore_mem>>) src(%dma_wait3A_24 : memref<64x512xi32, #tpu.memory_space<hbm>>) dst(%arg7 : memref<64x512xi32, #tpu.memory_space<vmem>>)
    %dma_start3A_25 = arith.constant 0 : i32
    %dma_start3A_26 = arith.constant 0 : i32
    %dma_start3A_27 = tpu.memref_slice %arg5[%dma_start3A_25, %dma_start3A_26] : memref<10240x512xi32, #tpu.memory_space<hbm>> -> memref<10240x512xi32, #tpu.memory_space<hbm>>
    tpu.enqueue_indirect_dma source(%arg7 : memref<64x512xi32, #tpu.memory_space<vmem>>) target(%dma_start3A_27 : memref<10240x512xi32, #tpu.memory_space<hbm>>) offsets(%arg10 : memref<64xi32, #tpu.memory_space<vmem>>) semaphore(%arg13 : memref<!tpu.dma_semaphore, #tpu.memory_space<semaphore_mem>>)
    %dma_start3A_28 = arith.constant 0 : i32
    %dma_start3A_29 = arith.constant 0 : i32
    %dma_start3A_30 = tpu.memref_slice %arg5[%dma_start3A_28, %dma_start3A_29] : memref<10240x512xi32, #tpu.memory_space<hbm>> -> memref<10240x512xi32, #tpu.memory_space<hbm>>
    tpu.enqueue_indirect_dma source(%arg7 : memref<64x512xi32, #tpu.memory_space<vmem>>) target(%dma_start3A_30 : memref<10240x512xi32, #tpu.memory_space<hbm>>) offsets(%arg11 : memref<64xi32, #tpu.memory_space<vmem>>) semaphore(%arg13 : memref<!tpu.dma_semaphore, #tpu.memory_space<semaphore_mem>>)
    %dma_wait3A_31 = arith.constant 0 : i32
    %dma_wait3A_32 = arith.constant 0 : i32
    %dma_wait3A_33 = tpu.memref_slice %arg5[%dma_wait3A_31, %dma_wait3A_32] : memref<10240x512xi32, #tpu.memory_space<hbm>> -> memref<10240x512xi32, #tpu.memory_space<hbm>>
    tpu.wait_indirect_dma semaphore(%arg13 : memref<!tpu.dma_semaphore, #tpu.memory_space<semaphore_mem>>) src(%arg6 : memref<64x512xi32, #tpu.memory_space<vmem>>) dst(%dma_wait3A_33 : memref<10240x512xi32, #tpu.memory_space<hbm>>)
    %dma_wait3A_34 = arith.constant 0 : i32
    %dma_wait3A_35 = arith.constant 0 : i32
    %dma_wait3A_36 = tpu.memref_slice %arg5[%dma_wait3A_34, %dma_wait3A_35] : memref<10240x512xi32, #tpu.memory_space<hbm>> -> memref<10240x512xi32, #tpu.memory_space<hbm>>
    tpu.wait_indirect_dma semaphore(%arg13 : memref<!tpu.dma_semaphore, #tpu.memory_space<semaphore_mem>>) src(%arg6 : memref<64x512xi32, #tpu.memory_space<vmem>>) dst(%dma_wait3A_36 : memref<10240x512xi32, #tpu.memory_space<hbm>>)
    %dma_wait3A_37 = arith.constant 0 : i32
    %dma_wait3A_38 = arith.constant 0 : i32
    %dma_wait3A_39 = tpu.memref_slice %arg5[%dma_wait3A_37, %dma_wait3A_38] : memref<10240x512xi32, #tpu.memory_space<hbm>> -> memref<10240x512xi32, #tpu.memory_space<hbm>>
    tpu.wait_indirect_dma semaphore(%arg13 : memref<!tpu.dma_semaphore, #tpu.memory_space<semaphore_mem>>) src(%arg7 : memref<64x512xi32, #tpu.memory_space<vmem>>) dst(%dma_wait3A_39 : memref<10240x512xi32, #tpu.memory_space<hbm>>)
    %dma_wait3A_40 = arith.constant 0 : i32
    %dma_wait3A_41 = arith.constant 0 : i32
    %dma_wait3A_42 = tpu.memref_slice %arg5[%dma_wait3A_40, %dma_wait3A_41] : memref<10240x512xi32, #tpu.memory_space<hbm>> -> memref<10240x512xi32, #tpu.memory_space<hbm>>
    tpu.wait_indirect_dma semaphore(%arg13 : memref<!tpu.dma_semaphore, #tpu.memory_space<semaphore_mem>>) src(%arg7 : memref<64x512xi32, #tpu.memory_space<vmem>>) dst(%dma_wait3A_42 : memref<10240x512xi32, #tpu.memory_space<hbm>>)
    return
  }
}

#map = affine_map<(d0, d1) -> (0, 0)>
#map1 = affine_map<(d0, d1) -> (0)>
module attributes {stable_mosaic.version = 14 : i64} {
  func.func @combine(%arg0: i32, %arg1: i32, %arg2: memref<10240x512xi32, #tpu.memory_space<hbm>>, %arg3: memref<4096xi32, #tpu.memory_space<hbm>>, %arg4: memref<4096xi32, #tpu.memory_space<hbm>>, %arg5: memref<4096x512xi32, #tpu.memory_space<hbm>>, %arg6: memref<4096x512xi32, #tpu.memory_space<hbm>>, %arg7: memref<32x512xi32, #tpu.memory_space<vmem>>, %arg8: memref<32x512xi32, #tpu.memory_space<vmem>>, %arg9: memref<32x512xi32, #tpu.memory_space<vmem>>, %arg10: memref<32x512xi32, #tpu.memory_space<vmem>>, %arg11: memref<32xi32, #tpu.memory_space<vmem>>, %arg12: memref<32xi32, #tpu.memory_space<vmem>>, %arg13: memref<32xi32, #tpu.memory_space<vmem>>, %arg14: memref<32xi32, #tpu.memory_space<vmem>>, %arg15: memref<!tpu.dma_semaphore, #tpu.memory_space<semaphore_mem>>, %arg16: memref<!tpu.dma_semaphore, #tpu.memory_space<semaphore_mem>>) attributes {dimension_semantics = [#tpu.dimension_semantics<core_parallel>, #tpu.dimension_semantics<subcore_parallel>], iteration_bounds = array<i64: 2, 16>, scalar_prefetch = 0 : i64, scratch_operands = 10 : i64, tpu.core_type = #tpu.core_type<sc_vector_subcore>, window_params = [{transform_indices = #map}, {transform_indices = #map1}, {transform_indices = #map1}, {transform_indices = #map}, {transform_indices = #map}]} {
    %mul3A = arith.constant 2 : i32
    %mul3A_0 = arith.muli %arg1, %mul3A : i32
    %add3A = arith.addi %mul3A_0, %arg0 : i32
    %mul3A_1 = arith.constant 128 : i32
    %mul3A_2 = arith.muli %add3A, %mul3A_1 : i32
    %mul3A_3 = arith.constant 128 : i32
    %mul3A_4 = arith.muli %add3A, %mul3A_3 : i32
    "tpu.region"() ({
      %run_scoped3A = tpu.sem_alloc : memref<!tpu.dma_semaphore, #tpu.memory_space<semaphore_mem>>
      %dma_start3A_129 = tpu.memref_slice %arg3[%mul3A_2] : memref<4096xi32, #tpu.memory_space<hbm>> -> memref<32xi32, #tpu.memory_space<hbm>>
      %dma_start3A_130 = tpu.memref_slice %arg3[%mul3A_2] : memref<4096xi32, #tpu.memory_space<hbm>> -> memref<32xi32, #tpu.memory_space<hbm>>
      tpu.enqueue_dma source(%dma_start3A_130 : memref<32xi32, #tpu.memory_space<hbm>>) target(%arg11 : memref<32xi32, #tpu.memory_space<vmem>>) target_semaphore(%run_scoped3A : memref<!tpu.dma_semaphore, #tpu.memory_space<semaphore_mem>>)
      %dma_wait3A_131 = tpu.memref_slice %arg3[%mul3A_2] : memref<4096xi32, #tpu.memory_space<hbm>> -> memref<32xi32, #tpu.memory_space<hbm>>
      %dma_wait3A_132 = tpu.memref_slice %arg3[%mul3A_2] : memref<4096xi32, #tpu.memory_space<hbm>> -> memref<32xi32, #tpu.memory_space<hbm>>
      tpu.wait_dma2 semaphore(%run_scoped3A : memref<!tpu.dma_semaphore, #tpu.memory_space<semaphore_mem>>) src(%dma_wait3A_132 : memref<32xi32, #tpu.memory_space<hbm>>) dst(%arg11 : memref<32xi32, #tpu.memory_space<vmem>>)
      tpu.yield
    }) : () -> ()
    "tpu.region"() ({
      %run_scoped3A = tpu.sem_alloc : memref<!tpu.dma_semaphore, #tpu.memory_space<semaphore_mem>>
      %dma_start3A_129 = tpu.memref_slice %arg4[%mul3A_2] : memref<4096xi32, #tpu.memory_space<hbm>> -> memref<32xi32, #tpu.memory_space<hbm>>
      %dma_start3A_130 = tpu.memref_slice %arg4[%mul3A_2] : memref<4096xi32, #tpu.memory_space<hbm>> -> memref<32xi32, #tpu.memory_space<hbm>>
      tpu.enqueue_dma source(%dma_start3A_130 : memref<32xi32, #tpu.memory_space<hbm>>) target(%arg12 : memref<32xi32, #tpu.memory_space<vmem>>) target_semaphore(%run_scoped3A : memref<!tpu.dma_semaphore, #tpu.memory_space<semaphore_mem>>)
      %dma_wait3A_131 = tpu.memref_slice %arg4[%mul3A_2] : memref<4096xi32, #tpu.memory_space<hbm>> -> memref<32xi32, #tpu.memory_space<hbm>>
      %dma_wait3A_132 = tpu.memref_slice %arg4[%mul3A_2] : memref<4096xi32, #tpu.memory_space<hbm>> -> memref<32xi32, #tpu.memory_space<hbm>>
      tpu.wait_dma2 semaphore(%run_scoped3A : memref<!tpu.dma_semaphore, #tpu.memory_space<semaphore_mem>>) src(%dma_wait3A_132 : memref<32xi32, #tpu.memory_space<hbm>>) dst(%arg12 : memref<32xi32, #tpu.memory_space<vmem>>)
      tpu.yield
    }) : () -> ()
    %dma_start3A = arith.constant 0 : i32
    %dma_start3A_5 = arith.constant 0 : i32
    %dma_start3A_6 = tpu.memref_slice %arg2[%dma_start3A, %dma_start3A_5] : memref<10240x512xi32, #tpu.memory_space<hbm>> -> memref<10240x512xi32, #tpu.memory_space<hbm>>
    tpu.enqueue_indirect_dma source(%dma_start3A_6 : memref<10240x512xi32, #tpu.memory_space<hbm>>) target(%arg7 : memref<32x512xi32, #tpu.memory_space<vmem>>) offsets(%arg11 : memref<32xi32, #tpu.memory_space<vmem>>) semaphore(%arg15 : memref<!tpu.dma_semaphore, #tpu.memory_space<semaphore_mem>>)
    %dma_start3A_7 = arith.constant 0 : i32
    %dma_start3A_8 = arith.constant 0 : i32
    %dma_start3A_9 = tpu.memref_slice %arg2[%dma_start3A_7, %dma_start3A_8] : memref<10240x512xi32, #tpu.memory_space<hbm>> -> memref<10240x512xi32, #tpu.memory_space<hbm>>
    tpu.enqueue_indirect_dma source(%dma_start3A_9 : memref<10240x512xi32, #tpu.memory_space<hbm>>) target(%arg8 : memref<32x512xi32, #tpu.memory_space<vmem>>) offsets(%arg12 : memref<32xi32, #tpu.memory_space<vmem>>) semaphore(%arg15 : memref<!tpu.dma_semaphore, #tpu.memory_space<semaphore_mem>>)
    %add3A_10 = arith.constant 0 : i32
    %add3A_11 = arith.addi %mul3A_4, %add3A_10 : i32
    %dma_wait3A = arith.constant 0 : i32
    %dma_wait3A_12 = arith.constant 0 : i32
    %dma_wait3A_13 = tpu.memref_slice %arg2[%dma_wait3A, %dma_wait3A_12] : memref<10240x512xi32, #tpu.memory_space<hbm>> -> memref<10240x512xi32, #tpu.memory_space<hbm>>
    tpu.wait_indirect_dma semaphore(%arg15 : memref<!tpu.dma_semaphore, #tpu.memory_space<semaphore_mem>>) src(%dma_wait3A_13 : memref<10240x512xi32, #tpu.memory_space<hbm>>) dst(%arg7 : memref<32x512xi32, #tpu.memory_space<vmem>>)
    %dma_wait3A_14 = arith.constant 0 : i32
    %dma_wait3A_15 = arith.constant 0 : i32
    %dma_wait3A_16 = tpu.memref_slice %arg2[%dma_wait3A_14, %dma_wait3A_15] : memref<10240x512xi32, #tpu.memory_space<hbm>> -> memref<10240x512xi32, #tpu.memory_space<hbm>>
    tpu.wait_indirect_dma semaphore(%arg15 : memref<!tpu.dma_semaphore, #tpu.memory_space<semaphore_mem>>) src(%dma_wait3A_16 : memref<10240x512xi32, #tpu.memory_space<hbm>>) dst(%arg8 : memref<32x512xi32, #tpu.memory_space<vmem>>)
    %dma_start3A_17 = arith.constant 0 : i32
    %dma_start3A_18 = tpu.memref_slice %arg5[%add3A_11, %dma_start3A_17] : memref<4096x512xi32, #tpu.memory_space<hbm>> -> memref<32x512xi32, #tpu.memory_space<hbm>>
    %dma_start3A_19 = arith.constant 0 : i32
    %dma_start3A_20 = tpu.memref_slice %arg5[%add3A_11, %dma_start3A_19] : memref<4096x512xi32, #tpu.memory_space<hbm>> -> memref<32x512xi32, #tpu.memory_space<hbm>>
    tpu.enqueue_dma source(%arg7 : memref<32x512xi32, #tpu.memory_space<vmem>>) target(%dma_start3A_20 : memref<32x512xi32, #tpu.memory_space<hbm>>) target_semaphore(%arg16 : memref<!tpu.dma_semaphore, #tpu.memory_space<semaphore_mem>>)
    %dma_start3A_21 = arith.constant 0 : i32
    %dma_start3A_22 = tpu.memref_slice %arg6[%add3A_11, %dma_start3A_21] : memref<4096x512xi32, #tpu.memory_space<hbm>> -> memref<32x512xi32, #tpu.memory_space<hbm>>
    %dma_start3A_23 = arith.constant 0 : i32
    %dma_start3A_24 = tpu.memref_slice %arg6[%add3A_11, %dma_start3A_23] : memref<4096x512xi32, #tpu.memory_space<hbm>> -> memref<32x512xi32, #tpu.memory_space<hbm>>
    tpu.enqueue_dma source(%arg8 : memref<32x512xi32, #tpu.memory_space<vmem>>) target(%dma_start3A_24 : memref<32x512xi32, #tpu.memory_space<hbm>>) target_semaphore(%arg16 : memref<!tpu.dma_semaphore, #tpu.memory_space<semaphore_mem>>)
    %add3A_25 = arith.constant 32 : i32
    %add3A_26 = arith.addi %mul3A_2, %add3A_25 : i32
    "tpu.region"() ({
      %run_scoped3A = tpu.sem_alloc : memref<!tpu.dma_semaphore, #tpu.memory_space<semaphore_mem>>
      %dma_start3A_129 = tpu.memref_slice %arg3[%add3A_26] : memref<4096xi32, #tpu.memory_space<hbm>> -> memref<32xi32, #tpu.memory_space<hbm>>
      %dma_start3A_130 = tpu.memref_slice %arg3[%add3A_26] : memref<4096xi32, #tpu.memory_space<hbm>> -> memref<32xi32, #tpu.memory_space<hbm>>
      tpu.enqueue_dma source(%dma_start3A_130 : memref<32xi32, #tpu.memory_space<hbm>>) target(%arg13 : memref<32xi32, #tpu.memory_space<vmem>>) target_semaphore(%run_scoped3A : memref<!tpu.dma_semaphore, #tpu.memory_space<semaphore_mem>>)
      %dma_wait3A_131 = tpu.memref_slice %arg3[%add3A_26] : memref<4096xi32, #tpu.memory_space<hbm>> -> memref<32xi32, #tpu.memory_space<hbm>>
      %dma_wait3A_132 = tpu.memref_slice %arg3[%add3A_26] : memref<4096xi32, #tpu.memory_space<hbm>> -> memref<32xi32, #tpu.memory_space<hbm>>
      tpu.wait_dma2 semaphore(%run_scoped3A : memref<!tpu.dma_semaphore, #tpu.memory_space<semaphore_mem>>) src(%dma_wait3A_132 : memref<32xi32, #tpu.memory_space<hbm>>) dst(%arg13 : memref<32xi32, #tpu.memory_space<vmem>>)
      tpu.yield
    }) : () -> ()
    "tpu.region"() ({
      %run_scoped3A = tpu.sem_alloc : memref<!tpu.dma_semaphore, #tpu.memory_space<semaphore_mem>>
      %dma_start3A_129 = tpu.memref_slice %arg4[%add3A_26] : memref<4096xi32, #tpu.memory_space<hbm>> -> memref<32xi32, #tpu.memory_space<hbm>>
      %dma_start3A_130 = tpu.memref_slice %arg4[%add3A_26] : memref<4096xi32, #tpu.memory_space<hbm>> -> memref<32xi32, #tpu.memory_space<hbm>>
      tpu.enqueue_dma source(%dma_start3A_130 : memref<32xi32, #tpu.memory_space<hbm>>) target(%arg14 : memref<32xi32, #tpu.memory_space<vmem>>) target_semaphore(%run_scoped3A : memref<!tpu.dma_semaphore, #tpu.memory_space<semaphore_mem>>)
      %dma_wait3A_131 = tpu.memref_slice %arg4[%add3A_26] : memref<4096xi32, #tpu.memory_space<hbm>> -> memref<32xi32, #tpu.memory_space<hbm>>
      %dma_wait3A_132 = tpu.memref_slice %arg4[%add3A_26] : memref<4096xi32, #tpu.memory_space<hbm>> -> memref<32xi32, #tpu.memory_space<hbm>>
      tpu.wait_dma2 semaphore(%run_scoped3A : memref<!tpu.dma_semaphore, #tpu.memory_space<semaphore_mem>>) src(%dma_wait3A_132 : memref<32xi32, #tpu.memory_space<hbm>>) dst(%arg14 : memref<32xi32, #tpu.memory_space<vmem>>)
      tpu.yield
    }) : () -> ()
    %dma_start3A_27 = arith.constant 0 : i32
    %dma_start3A_28 = arith.constant 0 : i32
    %dma_start3A_29 = tpu.memref_slice %arg2[%dma_start3A_27, %dma_start3A_28] : memref<10240x512xi32, #tpu.memory_space<hbm>> -> memref<10240x512xi32, #tpu.memory_space<hbm>>
    tpu.enqueue_indirect_dma source(%dma_start3A_29 : memref<10240x512xi32, #tpu.memory_space<hbm>>) target(%arg9 : memref<32x512xi32, #tpu.memory_space<vmem>>) offsets(%arg13 : memref<32xi32, #tpu.memory_space<vmem>>) semaphore(%arg15 : memref<!tpu.dma_semaphore, #tpu.memory_space<semaphore_mem>>)
    %dma_start3A_30 = arith.constant 0 : i32
    %dma_start3A_31 = arith.constant 0 : i32
    %dma_start3A_32 = tpu.memref_slice %arg2[%dma_start3A_30, %dma_start3A_31] : memref<10240x512xi32, #tpu.memory_space<hbm>> -> memref<10240x512xi32, #tpu.memory_space<hbm>>
    tpu.enqueue_indirect_dma source(%dma_start3A_32 : memref<10240x512xi32, #tpu.memory_space<hbm>>) target(%arg10 : memref<32x512xi32, #tpu.memory_space<vmem>>) offsets(%arg14 : memref<32xi32, #tpu.memory_space<vmem>>) semaphore(%arg15 : memref<!tpu.dma_semaphore, #tpu.memory_space<semaphore_mem>>)
    %add3A_33 = arith.constant 32 : i32
    %add3A_34 = arith.addi %mul3A_4, %add3A_33 : i32
    %dma_wait3A_35 = arith.constant 0 : i32
    %dma_wait3A_36 = arith.constant 0 : i32
    %dma_wait3A_37 = tpu.memref_slice %arg2[%dma_wait3A_35, %dma_wait3A_36] : memref<10240x512xi32, #tpu.memory_space<hbm>> -> memref<10240x512xi32, #tpu.memory_space<hbm>>
    tpu.wait_indirect_dma semaphore(%arg15 : memref<!tpu.dma_semaphore, #tpu.memory_space<semaphore_mem>>) src(%dma_wait3A_37 : memref<10240x512xi32, #tpu.memory_space<hbm>>) dst(%arg9 : memref<32x512xi32, #tpu.memory_space<vmem>>)
    %dma_wait3A_38 = arith.constant 0 : i32
    %dma_wait3A_39 = arith.constant 0 : i32
    %dma_wait3A_40 = tpu.memref_slice %arg2[%dma_wait3A_38, %dma_wait3A_39] : memref<10240x512xi32, #tpu.memory_space<hbm>> -> memref<10240x512xi32, #tpu.memory_space<hbm>>
    tpu.wait_indirect_dma semaphore(%arg15 : memref<!tpu.dma_semaphore, #tpu.memory_space<semaphore_mem>>) src(%dma_wait3A_40 : memref<10240x512xi32, #tpu.memory_space<hbm>>) dst(%arg10 : memref<32x512xi32, #tpu.memory_space<vmem>>)
    %dma_start3A_41 = arith.constant 0 : i32
    %dma_start3A_42 = tpu.memref_slice %arg5[%add3A_34, %dma_start3A_41] : memref<4096x512xi32, #tpu.memory_space<hbm>> -> memref<32x512xi32, #tpu.memory_space<hbm>>
    %dma_start3A_43 = arith.constant 0 : i32
    %dma_start3A_44 = tpu.memref_slice %arg5[%add3A_34, %dma_start3A_43] : memref<4096x512xi32, #tpu.memory_space<hbm>> -> memref<32x512xi32, #tpu.memory_space<hbm>>
    tpu.enqueue_dma source(%arg9 : memref<32x512xi32, #tpu.memory_space<vmem>>) target(%dma_start3A_44 : memref<32x512xi32, #tpu.memory_space<hbm>>) target_semaphore(%arg16 : memref<!tpu.dma_semaphore, #tpu.memory_space<semaphore_mem>>)
    %dma_start3A_45 = arith.constant 0 : i32
    %dma_start3A_46 = tpu.memref_slice %arg6[%add3A_34, %dma_start3A_45] : memref<4096x512xi32, #tpu.memory_space<hbm>> -> memref<32x512xi32, #tpu.memory_space<hbm>>
    %dma_start3A_47 = arith.constant 0 : i32
    %dma_start3A_48 = tpu.memref_slice %arg6[%add3A_34, %dma_start3A_47] : memref<4096x512xi32, #tpu.memory_space<hbm>> -> memref<32x512xi32, #tpu.memory_space<hbm>>
    tpu.enqueue_dma source(%arg10 : memref<32x512xi32, #tpu.memory_space<vmem>>) target(%dma_start3A_48 : memref<32x512xi32, #tpu.memory_space<hbm>>) target_semaphore(%arg16 : memref<!tpu.dma_semaphore, #tpu.memory_space<semaphore_mem>>)
    %dma_wait3A_49 = arith.constant 0 : i32
    %dma_wait3A_50 = tpu.memref_slice %arg5[%add3A_11, %dma_wait3A_49] : memref<4096x512xi32, #tpu.memory_space<hbm>> -> memref<32x512xi32, #tpu.memory_space<hbm>>
    %dma_wait3A_51 = arith.constant 0 : i32
    %dma_wait3A_52 = tpu.memref_slice %arg5[%add3A_11, %dma_wait3A_51] : memref<4096x512xi32, #tpu.memory_space<hbm>> -> memref<32x512xi32, #tpu.memory_space<hbm>>
    tpu.wait_dma2 semaphore(%arg16 : memref<!tpu.dma_semaphore, #tpu.memory_space<semaphore_mem>>) src(%arg7 : memref<32x512xi32, #tpu.memory_space<vmem>>) dst(%dma_wait3A_52 : memref<32x512xi32, #tpu.memory_space<hbm>>)
    %dma_wait3A_53 = arith.constant 0 : i32
    %dma_wait3A_54 = tpu.memref_slice %arg6[%add3A_11, %dma_wait3A_53] : memref<4096x512xi32, #tpu.memory_space<hbm>> -> memref<32x512xi32, #tpu.memory_space<hbm>>
    %dma_wait3A_55 = arith.constant 0 : i32
    %dma_wait3A_56 = tpu.memref_slice %arg6[%add3A_11, %dma_wait3A_55] : memref<4096x512xi32, #tpu.memory_space<hbm>> -> memref<32x512xi32, #tpu.memory_space<hbm>>
    tpu.wait_dma2 semaphore(%arg16 : memref<!tpu.dma_semaphore, #tpu.memory_space<semaphore_mem>>) src(%arg8 : memref<32x512xi32, #tpu.memory_space<vmem>>) dst(%dma_wait3A_56 : memref<32x512xi32, #tpu.memory_space<hbm>>)
    %add3A_57 = arith.constant 64 : i32
    %add3A_58 = arith.addi %mul3A_2, %add3A_57 : i32
    "tpu.region"() ({
      %run_scoped3A = tpu.sem_alloc : memref<!tpu.dma_semaphore, #tpu.memory_space<semaphore_mem>>
      %dma_start3A_129 = tpu.memref_slice %arg3[%add3A_58] : memref<4096xi32, #tpu.memory_space<hbm>> -> memref<32xi32, #tpu.memory_space<hbm>>
      %dma_start3A_130 = tpu.memref_slice %arg3[%add3A_58] : memref<4096xi32, #tpu.memory_space<hbm>> -> memref<32xi32, #tpu.memory_space<hbm>>
      tpu.enqueue_dma source(%dma_start3A_130 : memref<32xi32, #tpu.memory_space<hbm>>) target(%arg11 : memref<32xi32, #tpu.memory_space<vmem>>) target_semaphore(%run_scoped3A : memref<!tpu.dma_semaphore, #tpu.memory_space<semaphore_mem>>)
      %dma_wait3A_131 = tpu.memref_slice %arg3[%add3A_58] : memref<4096xi32, #tpu.memory_space<hbm>> -> memref<32xi32, #tpu.memory_space<hbm>>
      %dma_wait3A_132 = tpu.memref_slice %arg3[%add3A_58] : memref<4096xi32, #tpu.memory_space<hbm>> -> memref<32xi32, #tpu.memory_space<hbm>>
      tpu.wait_dma2 semaphore(%run_scoped3A : memref<!tpu.dma_semaphore, #tpu.memory_space<semaphore_mem>>) src(%dma_wait3A_132 : memref<32xi32, #tpu.memory_space<hbm>>) dst(%arg11 : memref<32xi32, #tpu.memory_space<vmem>>)
      tpu.yield
    }) : () -> ()
    "tpu.region"() ({
      %run_scoped3A = tpu.sem_alloc : memref<!tpu.dma_semaphore, #tpu.memory_space<semaphore_mem>>
      %dma_start3A_129 = tpu.memref_slice %arg4[%add3A_58] : memref<4096xi32, #tpu.memory_space<hbm>> -> memref<32xi32, #tpu.memory_space<hbm>>
      %dma_start3A_130 = tpu.memref_slice %arg4[%add3A_58] : memref<4096xi32, #tpu.memory_space<hbm>> -> memref<32xi32, #tpu.memory_space<hbm>>
      tpu.enqueue_dma source(%dma_start3A_130 : memref<32xi32, #tpu.memory_space<hbm>>) target(%arg12 : memref<32xi32, #tpu.memory_space<vmem>>) target_semaphore(%run_scoped3A : memref<!tpu.dma_semaphore, #tpu.memory_space<semaphore_mem>>)
      %dma_wait3A_131 = tpu.memref_slice %arg4[%add3A_58] : memref<4096xi32, #tpu.memory_space<hbm>> -> memref<32xi32, #tpu.memory_space<hbm>>
      %dma_wait3A_132 = tpu.memref_slice %arg4[%add3A_58] : memref<4096xi32, #tpu.memory_space<hbm>> -> memref<32xi32, #tpu.memory_space<hbm>>
      tpu.wait_dma2 semaphore(%run_scoped3A : memref<!tpu.dma_semaphore, #tpu.memory_space<semaphore_mem>>) src(%dma_wait3A_132 : memref<32xi32, #tpu.memory_space<hbm>>) dst(%arg12 : memref<32xi32, #tpu.memory_space<vmem>>)
      tpu.yield
    }) : () -> ()
    %dma_start3A_59 = arith.constant 0 : i32
    %dma_start3A_60 = arith.constant 0 : i32
    %dma_start3A_61 = tpu.memref_slice %arg2[%dma_start3A_59, %dma_start3A_60] : memref<10240x512xi32, #tpu.memory_space<hbm>> -> memref<10240x512xi32, #tpu.memory_space<hbm>>
    tpu.enqueue_indirect_dma source(%dma_start3A_61 : memref<10240x512xi32, #tpu.memory_space<hbm>>) target(%arg7 : memref<32x512xi32, #tpu.memory_space<vmem>>) offsets(%arg11 : memref<32xi32, #tpu.memory_space<vmem>>) semaphore(%arg15 : memref<!tpu.dma_semaphore, #tpu.memory_space<semaphore_mem>>)
    %dma_start3A_62 = arith.constant 0 : i32
    %dma_start3A_63 = arith.constant 0 : i32
    %dma_start3A_64 = tpu.memref_slice %arg2[%dma_start3A_62, %dma_start3A_63] : memref<10240x512xi32, #tpu.memory_space<hbm>> -> memref<10240x512xi32, #tpu.memory_space<hbm>>
    tpu.enqueue_indirect_dma source(%dma_start3A_64 : memref<10240x512xi32, #tpu.memory_space<hbm>>) target(%arg8 : memref<32x512xi32, #tpu.memory_space<vmem>>) offsets(%arg12 : memref<32xi32, #tpu.memory_space<vmem>>) semaphore(%arg15 : memref<!tpu.dma_semaphore, #tpu.memory_space<semaphore_mem>>)
    %add3A_65 = arith.constant 64 : i32
    %add3A_66 = arith.addi %mul3A_4, %add3A_65 : i32
    %dma_wait3A_67 = arith.constant 0 : i32
    %dma_wait3A_68 = arith.constant 0 : i32
    %dma_wait3A_69 = tpu.memref_slice %arg2[%dma_wait3A_67, %dma_wait3A_68] : memref<10240x512xi32, #tpu.memory_space<hbm>> -> memref<10240x512xi32, #tpu.memory_space<hbm>>
    tpu.wait_indirect_dma semaphore(%arg15 : memref<!tpu.dma_semaphore, #tpu.memory_space<semaphore_mem>>) src(%dma_wait3A_69 : memref<10240x512xi32, #tpu.memory_space<hbm>>) dst(%arg7 : memref<32x512xi32, #tpu.memory_space<vmem>>)
    %dma_wait3A_70 = arith.constant 0 : i32
    %dma_wait3A_71 = arith.constant 0 : i32
    %dma_wait3A_72 = tpu.memref_slice %arg2[%dma_wait3A_70, %dma_wait3A_71] : memref<10240x512xi32, #tpu.memory_space<hbm>> -> memref<10240x512xi32, #tpu.memory_space<hbm>>
    tpu.wait_indirect_dma semaphore(%arg15 : memref<!tpu.dma_semaphore, #tpu.memory_space<semaphore_mem>>) src(%dma_wait3A_72 : memref<10240x512xi32, #tpu.memory_space<hbm>>) dst(%arg8 : memref<32x512xi32, #tpu.memory_space<vmem>>)
    %dma_start3A_73 = arith.constant 0 : i32
    %dma_start3A_74 = tpu.memref_slice %arg5[%add3A_66, %dma_start3A_73] : memref<4096x512xi32, #tpu.memory_space<hbm>> -> memref<32x512xi32, #tpu.memory_space<hbm>>
    %dma_start3A_75 = arith.constant 0 : i32
    %dma_start3A_76 = tpu.memref_slice %arg5[%add3A_66, %dma_start3A_75] : memref<4096x512xi32, #tpu.memory_space<hbm>> -> memref<32x512xi32, #tpu.memory_space<hbm>>
    tpu.enqueue_dma source(%arg7 : memref<32x512xi32, #tpu.memory_space<vmem>>) target(%dma_start3A_76 : memref<32x512xi32, #tpu.memory_space<hbm>>) target_semaphore(%arg16 : memref<!tpu.dma_semaphore, #tpu.memory_space<semaphore_mem>>)
    %dma_start3A_77 = arith.constant 0 : i32
    %dma_start3A_78 = tpu.memref_slice %arg6[%add3A_66, %dma_start3A_77] : memref<4096x512xi32, #tpu.memory_space<hbm>> -> memref<32x512xi32, #tpu.memory_space<hbm>>
    %dma_start3A_79 = arith.constant 0 : i32
    %dma_start3A_80 = tpu.memref_slice %arg6[%add3A_66, %dma_start3A_79] : memref<4096x512xi32, #tpu.memory_space<hbm>> -> memref<32x512xi32, #tpu.memory_space<hbm>>
    tpu.enqueue_dma source(%arg8 : memref<32x512xi32, #tpu.memory_space<vmem>>) target(%dma_start3A_80 : memref<32x512xi32, #tpu.memory_space<hbm>>) target_semaphore(%arg16 : memref<!tpu.dma_semaphore, #tpu.memory_space<semaphore_mem>>)
    %dma_wait3A_81 = arith.constant 0 : i32
    %dma_wait3A_82 = tpu.memref_slice %arg5[%add3A_34, %dma_wait3A_81] : memref<4096x512xi32, #tpu.memory_space<hbm>> -> memref<32x512xi32, #tpu.memory_space<hbm>>
    %dma_wait3A_83 = arith.constant 0 : i32
    %dma_wait3A_84 = tpu.memref_slice %arg5[%add3A_34, %dma_wait3A_83] : memref<4096x512xi32, #tpu.memory_space<hbm>> -> memref<32x512xi32, #tpu.memory_space<hbm>>
    tpu.wait_dma2 semaphore(%arg16 : memref<!tpu.dma_semaphore, #tpu.memory_space<semaphore_mem>>) src(%arg9 : memref<32x512xi32, #tpu.memory_space<vmem>>) dst(%dma_wait3A_84 : memref<32x512xi32, #tpu.memory_space<hbm>>)
    %dma_wait3A_85 = arith.constant 0 : i32
    %dma_wait3A_86 = tpu.memref_slice %arg6[%add3A_34, %dma_wait3A_85] : memref<4096x512xi32, #tpu.memory_space<hbm>> -> memref<32x512xi32, #tpu.memory_space<hbm>>
    %dma_wait3A_87 = arith.constant 0 : i32
    %dma_wait3A_88 = tpu.memref_slice %arg6[%add3A_34, %dma_wait3A_87] : memref<4096x512xi32, #tpu.memory_space<hbm>> -> memref<32x512xi32, #tpu.memory_space<hbm>>
    tpu.wait_dma2 semaphore(%arg16 : memref<!tpu.dma_semaphore, #tpu.memory_space<semaphore_mem>>) src(%arg10 : memref<32x512xi32, #tpu.memory_space<vmem>>) dst(%dma_wait3A_88 : memref<32x512xi32, #tpu.memory_space<hbm>>)
    %add3A_89 = arith.constant 96 : i32
    %add3A_90 = arith.addi %mul3A_2, %add3A_89 : i32
    "tpu.region"() ({
      %run_scoped3A = tpu.sem_alloc : memref<!tpu.dma_semaphore, #tpu.memory_space<semaphore_mem>>
      %dma_start3A_129 = tpu.memref_slice %arg3[%add3A_90] : memref<4096xi32, #tpu.memory_space<hbm>> -> memref<32xi32, #tpu.memory_space<hbm>>
      %dma_start3A_130 = tpu.memref_slice %arg3[%add3A_90] : memref<4096xi32, #tpu.memory_space<hbm>> -> memref<32xi32, #tpu.memory_space<hbm>>
      tpu.enqueue_dma source(%dma_start3A_130 : memref<32xi32, #tpu.memory_space<hbm>>) target(%arg13 : memref<32xi32, #tpu.memory_space<vmem>>) target_semaphore(%run_scoped3A : memref<!tpu.dma_semaphore, #tpu.memory_space<semaphore_mem>>)
      %dma_wait3A_131 = tpu.memref_slice %arg3[%add3A_90] : memref<4096xi32, #tpu.memory_space<hbm>> -> memref<32xi32, #tpu.memory_space<hbm>>
      %dma_wait3A_132 = tpu.memref_slice %arg3[%add3A_90] : memref<4096xi32, #tpu.memory_space<hbm>> -> memref<32xi32, #tpu.memory_space<hbm>>
      tpu.wait_dma2 semaphore(%run_scoped3A : memref<!tpu.dma_semaphore, #tpu.memory_space<semaphore_mem>>) src(%dma_wait3A_132 : memref<32xi32, #tpu.memory_space<hbm>>) dst(%arg13 : memref<32xi32, #tpu.memory_space<vmem>>)
      tpu.yield
    }) : () -> ()
    "tpu.region"() ({
      %run_scoped3A = tpu.sem_alloc : memref<!tpu.dma_semaphore, #tpu.memory_space<semaphore_mem>>
      %dma_start3A_129 = tpu.memref_slice %arg4[%add3A_90] : memref<4096xi32, #tpu.memory_space<hbm>> -> memref<32xi32, #tpu.memory_space<hbm>>
      %dma_start3A_130 = tpu.memref_slice %arg4[%add3A_90] : memref<4096xi32, #tpu.memory_space<hbm>> -> memref<32xi32, #tpu.memory_space<hbm>>
      tpu.enqueue_dma source(%dma_start3A_130 : memref<32xi32, #tpu.memory_space<hbm>>) target(%arg14 : memref<32xi32, #tpu.memory_space<vmem>>) target_semaphore(%run_scoped3A : memref<!tpu.dma_semaphore, #tpu.memory_space<semaphore_mem>>)
      %dma_wait3A_131 = tpu.memref_slice %arg4[%add3A_90] : memref<4096xi32, #tpu.memory_space<hbm>> -> memref<32xi32, #tpu.memory_space<hbm>>
      %dma_wait3A_132 = tpu.memref_slice %arg4[%add3A_90] : memref<4096xi32, #tpu.memory_space<hbm>> -> memref<32xi32, #tpu.memory_space<hbm>>
      tpu.wait_dma2 semaphore(%run_scoped3A : memref<!tpu.dma_semaphore, #tpu.memory_space<semaphore_mem>>) src(%dma_wait3A_132 : memref<32xi32, #tpu.memory_space<hbm>>) dst(%arg14 : memref<32xi32, #tpu.memory_space<vmem>>)
      tpu.yield
    }) : () -> ()
    %dma_start3A_91 = arith.constant 0 : i32
    %dma_start3A_92 = arith.constant 0 : i32
    %dma_start3A_93 = tpu.memref_slice %arg2[%dma_start3A_91, %dma_start3A_92] : memref<10240x512xi32, #tpu.memory_space<hbm>> -> memref<10240x512xi32, #tpu.memory_space<hbm>>
    tpu.enqueue_indirect_dma source(%dma_start3A_93 : memref<10240x512xi32, #tpu.memory_space<hbm>>) target(%arg9 : memref<32x512xi32, #tpu.memory_space<vmem>>) offsets(%arg13 : memref<32xi32, #tpu.memory_space<vmem>>) semaphore(%arg15 : memref<!tpu.dma_semaphore, #tpu.memory_space<semaphore_mem>>)
    %dma_start3A_94 = arith.constant 0 : i32
    %dma_start3A_95 = arith.constant 0 : i32
    %dma_start3A_96 = tpu.memref_slice %arg2[%dma_start3A_94, %dma_start3A_95] : memref<10240x512xi32, #tpu.memory_space<hbm>> -> memref<10240x512xi32, #tpu.memory_space<hbm>>
    tpu.enqueue_indirect_dma source(%dma_start3A_96 : memref<10240x512xi32, #tpu.memory_space<hbm>>) target(%arg10 : memref<32x512xi32, #tpu.memory_space<vmem>>) offsets(%arg14 : memref<32xi32, #tpu.memory_space<vmem>>) semaphore(%arg15 : memref<!tpu.dma_semaphore, #tpu.memory_space<semaphore_mem>>)
    %add3A_97 = arith.constant 96 : i32
    %add3A_98 = arith.addi %mul3A_4, %add3A_97 : i32
    %dma_wait3A_99 = arith.constant 0 : i32
    %dma_wait3A_100 = arith.constant 0 : i32
    %dma_wait3A_101 = tpu.memref_slice %arg2[%dma_wait3A_99, %dma_wait3A_100] : memref<10240x512xi32, #tpu.memory_space<hbm>> -> memref<10240x512xi32, #tpu.memory_space<hbm>>
    tpu.wait_indirect_dma semaphore(%arg15 : memref<!tpu.dma_semaphore, #tpu.memory_space<semaphore_mem>>) src(%dma_wait3A_101 : memref<10240x512xi32, #tpu.memory_space<hbm>>) dst(%arg9 : memref<32x512xi32, #tpu.memory_space<vmem>>)
    %dma_wait3A_102 = arith.constant 0 : i32
    %dma_wait3A_103 = arith.constant 0 : i32
    %dma_wait3A_104 = tpu.memref_slice %arg2[%dma_wait3A_102, %dma_wait3A_103] : memref<10240x512xi32, #tpu.memory_space<hbm>> -> memref<10240x512xi32, #tpu.memory_space<hbm>>
    tpu.wait_indirect_dma semaphore(%arg15 : memref<!tpu.dma_semaphore, #tpu.memory_space<semaphore_mem>>) src(%dma_wait3A_104 : memref<10240x512xi32, #tpu.memory_space<hbm>>) dst(%arg10 : memref<32x512xi32, #tpu.memory_space<vmem>>)
    %dma_start3A_105 = arith.constant 0 : i32
    %dma_start3A_106 = tpu.memref_slice %arg5[%add3A_98, %dma_start3A_105] : memref<4096x512xi32, #tpu.memory_space<hbm>> -> memref<32x512xi32, #tpu.memory_space<hbm>>
    %dma_start3A_107 = arith.constant 0 : i32
    %dma_start3A_108 = tpu.memref_slice %arg5[%add3A_98, %dma_start3A_107] : memref<4096x512xi32, #tpu.memory_space<hbm>> -> memref<32x512xi32, #tpu.memory_space<hbm>>
    tpu.enqueue_dma source(%arg9 : memref<32x512xi32, #tpu.memory_space<vmem>>) target(%dma_start3A_108 : memref<32x512xi32, #tpu.memory_space<hbm>>) target_semaphore(%arg16 : memref<!tpu.dma_semaphore, #tpu.memory_space<semaphore_mem>>)
    %dma_start3A_109 = arith.constant 0 : i32
    %dma_start3A_110 = tpu.memref_slice %arg6[%add3A_98, %dma_start3A_109] : memref<4096x512xi32, #tpu.memory_space<hbm>> -> memref<32x512xi32, #tpu.memory_space<hbm>>
    %dma_start3A_111 = arith.constant 0 : i32
    %dma_start3A_112 = tpu.memref_slice %arg6[%add3A_98, %dma_start3A_111] : memref<4096x512xi32, #tpu.memory_space<hbm>> -> memref<32x512xi32, #tpu.memory_space<hbm>>
    tpu.enqueue_dma source(%arg10 : memref<32x512xi32, #tpu.memory_space<vmem>>) target(%dma_start3A_112 : memref<32x512xi32, #tpu.memory_space<hbm>>) target_semaphore(%arg16 : memref<!tpu.dma_semaphore, #tpu.memory_space<semaphore_mem>>)
    %dma_wait3A_113 = arith.constant 0 : i32
    %dma_wait3A_114 = tpu.memref_slice %arg5[%add3A_66, %dma_wait3A_113] : memref<4096x512xi32, #tpu.memory_space<hbm>> -> memref<32x512xi32, #tpu.memory_space<hbm>>
    %dma_wait3A_115 = arith.constant 0 : i32
    %dma_wait3A_116 = tpu.memref_slice %arg5[%add3A_66, %dma_wait3A_115] : memref<4096x512xi32, #tpu.memory_space<hbm>> -> memref<32x512xi32, #tpu.memory_space<hbm>>
    tpu.wait_dma2 semaphore(%arg16 : memref<!tpu.dma_semaphore, #tpu.memory_space<semaphore_mem>>) src(%arg7 : memref<32x512xi32, #tpu.memory_space<vmem>>) dst(%dma_wait3A_116 : memref<32x512xi32, #tpu.memory_space<hbm>>)
    %dma_wait3A_117 = arith.constant 0 : i32
    %dma_wait3A_118 = tpu.memref_slice %arg6[%add3A_66, %dma_wait3A_117] : memref<4096x512xi32, #tpu.memory_space<hbm>> -> memref<32x512xi32, #tpu.memory_space<hbm>>
    %dma_wait3A_119 = arith.constant 0 : i32
    %dma_wait3A_120 = tpu.memref_slice %arg6[%add3A_66, %dma_wait3A_119] : memref<4096x512xi32, #tpu.memory_space<hbm>> -> memref<32x512xi32, #tpu.memory_space<hbm>>
    tpu.wait_dma2 semaphore(%arg16 : memref<!tpu.dma_semaphore, #tpu.memory_space<semaphore_mem>>) src(%arg8 : memref<32x512xi32, #tpu.memory_space<vmem>>) dst(%dma_wait3A_120 : memref<32x512xi32, #tpu.memory_space<hbm>>)
    %dma_wait3A_121 = arith.constant 0 : i32
    %dma_wait3A_122 = tpu.memref_slice %arg5[%add3A_98, %dma_wait3A_121] : memref<4096x512xi32, #tpu.memory_space<hbm>> -> memref<32x512xi32, #tpu.memory_space<hbm>>
    %dma_wait3A_123 = arith.constant 0 : i32
    %dma_wait3A_124 = tpu.memref_slice %arg5[%add3A_98, %dma_wait3A_123] : memref<4096x512xi32, #tpu.memory_space<hbm>> -> memref<32x512xi32, #tpu.memory_space<hbm>>
    tpu.wait_dma2 semaphore(%arg16 : memref<!tpu.dma_semaphore, #tpu.memory_space<semaphore_mem>>) src(%arg9 : memref<32x512xi32, #tpu.memory_space<vmem>>) dst(%dma_wait3A_124 : memref<32x512xi32, #tpu.memory_space<hbm>>)
    %dma_wait3A_125 = arith.constant 0 : i32
    %dma_wait3A_126 = tpu.memref_slice %arg6[%add3A_98, %dma_wait3A_125] : memref<4096x512xi32, #tpu.memory_space<hbm>> -> memref<32x512xi32, #tpu.memory_space<hbm>>
    %dma_wait3A_127 = arith.constant 0 : i32
    %dma_wait3A_128 = tpu.memref_slice %arg6[%add3A_98, %dma_wait3A_127] : memref<4096x512xi32, #tpu.memory_space<hbm>> -> memref<32x512xi32, #tpu.memory_space<hbm>>
    tpu.wait_dma2 semaphore(%arg16 : memref<!tpu.dma_semaphore, #tpu.memory_space<semaphore_mem>>) src(%arg10 : memref<32x512xi32, #tpu.memory_space<vmem>>) dst(%dma_wait3A_128 : memref<32x512xi32, #tpu.memory_space<hbm>>)
    return
  }
}

module attributes {stable_mosaic.version = 14 : i64} {
  func.func @_router_body(%arg0: i32, %arg1: memref<512x1024xf32, #tpu.memory_space<vmem>>, %arg2: memref<8x1024xf32, #tpu.memory_space<vmem>>, %arg3: memref<512x512xf32, #tpu.memory_space<vmem>>, %arg4: memref<8x8xf32, #tpu.memory_space<vmem>>, %arg5: memref<512x512xi32, #tpu.memory_space<vmem>>, %arg6: memref<4096x1xi32, #tpu.memory_space<vmem>>, %arg7: memref<4096x1xi32, #tpu.memory_space<vmem>>, %arg8: memref<4096x1xf32, #tpu.memory_space<vmem>>, %arg9: memref<4096x1xf32, #tpu.memory_space<vmem>>, %arg10: memref<40x1xi32, #tpu.memory_space<vmem>>, %arg11: memref<1x8xf32, #tpu.memory_space<vmem>>, %arg12: memref<4096x8xf32, #tpu.memory_space<vmem>>, %arg13: memref<4096x8xf32, #tpu.memory_space<vmem>>, %arg14: memref<4096x8xf32, #tpu.memory_space<vmem>>) attributes {dimension_semantics = [#tpu.dimension_semantics<arbitrary>], iteration_bounds = array<i64: 9>, scalar_prefetch = 0 : i64, scratch_operands = 4 : i64, tpu.core_type = #tpu.core_type<tc>, window_params = [{transform_indices = @transform_0, window_bounds = array<i64: 512, 1024>}, {pipeline_mode = #tpu.pipeline_mode<synchronous>, transform_indices = @transform_1, window_bounds = array<i64: 8, 1024>}, {pipeline_mode = #tpu.pipeline_mode<synchronous>, transform_indices = @transform_2, window_bounds = array<i64: 512, 512>}, {pipeline_mode = #tpu.pipeline_mode<synchronous>, transform_indices = @transform_3, window_bounds = array<i64: 8, 8>}, {transform_indices = @transform_4, window_bounds = array<i64: 512, 512>}, {pipeline_mode = #tpu.pipeline_mode<synchronous>, transform_indices = @transform_5, window_bounds = array<i64: 4096, 1>}, {pipeline_mode = #tpu.pipeline_mode<synchronous>, transform_indices = @transform_6, window_bounds = array<i64: 4096, 1>}, {pipeline_mode = #tpu.pipeline_mode<synchronous>, transform_indices = @transform_7, window_bounds = array<i64: 4096, 1>}, {pipeline_mode = #tpu.pipeline_mode<synchronous>, transform_indices = @transform_8, window_bounds = array<i64: 4096, 1>}, {pipeline_mode = #tpu.pipeline_mode<synchronous>, transform_indices = @transform_9, window_bounds = array<i64: 40, 1>}]} {
    %eq3A = arith.constant 0 : i32
    %eq3A_0 = arith.cmpi eq, %arg0, %eq3A : i32
    %convert_element_type3A = arith.extui %eq3A_0 : i1 to i32
    %cond3A = arith.constant 0 : i32
    %cond3A_1 = arith.cmpi ne, %convert_element_type3A, %cond3A : i32
    scf.if %cond3A_1 {
      %broadcast_in_dim3A = arith.constant 0.000000e+00 : f32
      %broadcast_in_dim3A_11 = vector.broadcast %broadcast_in_dim3A : f32 to vector<1x8xf32>
      %swap3A = arith.constant 0 : index
      %swap3A_12 = arith.constant 0 : index
      %swap3A_13 = vector.load %arg11[%swap3A, %swap3A_12] : memref<1x8xf32, #tpu.memory_space<vmem>>, vector<1x8xf32>
      tpu.vector_store %arg11[%swap3A, %swap3A_12], %broadcast_in_dim3A_11 {strides = array<i32>} : memref<1x8xf32, #tpu.memory_space<vmem>>, vector<1x8xf32>,
    } else {
    }
    %lt3A = arith.constant 8 : i32
    %lt3A_2 = arith.cmpi slt, %arg0, %lt3A : i32
    %convert_element_type3A_3 = arith.extui %lt3A_2 : i1 to i32
    %cond3A_4 = arith.constant 0 : i32
    %cond3A_5 = arith.cmpi ne, %convert_element_type3A_3, %cond3A_4 : i32
    scf.if %cond3A_5 {
      %get3A = arith.constant 0 : index
      %get3A_11 = arith.constant 0 : index
      %get3A_12 = vector.load %arg1[%get3A, %get3A_11] : memref<512x1024xf32, #tpu.memory_space<vmem>>, vector<512x512xf32>
      %convert_element_type3A_13 = arith.truncf %get3A_12 : vector<512x512xf32> to vector<512x512xbf16>
      %convert_element_type3A_14 = arith.extf %convert_element_type3A_13 : vector<512x512xbf16> to vector<512x512xf32>
      %get3A_15 = arith.constant 0 : index
      %get3A_16 = arith.constant 512 : index
      %get3A_17 = vector.load %arg1[%get3A_15, %get3A_16] : memref<512x1024xf32, #tpu.memory_space<vmem>>, vector<512x512xf32>
      %convert_element_type3A_18 = arith.truncf %get3A_17 : vector<512x512xf32> to vector<512x512xbf16>
      %convert_element_type3A_19 = arith.extf %convert_element_type3A_18 : vector<512x512xbf16> to vector<512x512xf32>
      %bitcast_convert_type3A = tpu.bitcast %convert_element_type3A_14 : vector<512x512xf32> -> vector<512x512xi32>
      %shift_right_logical3A = arith.constant 16 : i32
      %shift_right_logical3A_20 = vector.broadcast %shift_right_logical3A : i32 to vector<512x512xi32>
      %shift_right_logical3A_21 = arith.shrui %bitcast_convert_type3A, %shift_right_logical3A_20 : vector<512x512xi32>
      %bitcast_convert_type3A_22 = tpu.bitcast %convert_element_type3A_19 : vector<512x512xf32> -> vector<512x512xi32>
      %and3A = arith.constant -65536 : i32
      %and3A_23 = vector.broadcast %and3A : i32 to vector<512x512xi32>
      %and3A_24 = arith.andi %bitcast_convert_type3A_22, %and3A_23 : vector<512x512xi32>
      %or3A = arith.ori %shift_right_logical3A_21, %and3A_24 : vector<512x512xi32>
      %bitcast_convert_type3A_25 = tpu.bitcast %or3A : vector<512x512xi32> -> vector<512x512xi32>
      %swap3A = arith.constant 0 : index
      %swap3A_26 = arith.constant 0 : index
      %swap3A_27 = vector.load %arg5[%swap3A, %swap3A_26] : memref<512x512xi32, #tpu.memory_space<vmem>>, vector<512x512xi32>
      tpu.vector_store %arg5[%swap3A, %swap3A_26], %bitcast_convert_type3A_25 {strides = array<i32>} : memref<512x512xi32, #tpu.memory_space<vmem>>, vector<512x512xi32>,
      %get3A_28 = arith.constant 0 : index
      %get3A_29 = arith.constant 0 : index
      %get3A_30 = vector.load %arg1[%get3A_28, %get3A_29] : memref<512x1024xf32, #tpu.memory_space<vmem>>, vector<512x1024xf32>
      %get3A_31 = arith.constant 0 : index
      %get3A_32 = arith.constant 0 : index
      %get3A_33 = vector.load %arg2[%get3A_31, %get3A_32] : memref<8x1024xf32, #tpu.memory_space<vmem>>, vector<8x1024xf32>
      %dot_general3A = arith.constant dense<0.000000e+00> : vector<512x8xf32>
      %dot_general3A_34 = tpu.matmul %get3A_30, %get3A_33, %dot_general3A {dimension_numbers = #tpu.dot_dimension_numbers<[1], [1], [0], [0], [0, 0, 1, 0], [], []>, transpose_lhs_hint = false} : vector<512x1024xf32>, vector<8x1024xf32>, vector<512x8xf32> -> vector<512x8xf32>
      %iota3A = tpu.iota {dimensions = array<i32: 1>} : vector<512x8xi32>
      %broadcast_in_dim3A = arith.constant 0.000000e+00 : f32
      %broadcast_in_dim3A_35 = vector.broadcast %broadcast_in_dim3A : f32 to vector<512x8xf32>
      %slice3A = vector.extract_strided_slice %dot_general3A_34 {offsets = [0, 0], sizes = [512, 1], strides = [1, 1]} : vector<512x8xf32> to vector<512x1xf32>
      %gt3A = vector.broadcast %slice3A : vector<512x1xf32> to vector<512x8xf32>
      %gt3A_36 = arith.cmpf ogt, %gt3A, %dot_general3A_34 : vector<512x8xf32>
      %eq3A_37 = vector.broadcast %slice3A : vector<512x1xf32> to vector<512x8xf32>
      %eq3A_38 = arith.cmpf oeq, %eq3A_37, %dot_general3A_34 : vector<512x8xf32>
      %gt3A_39 = arith.constant 0 : i32
      %gt3A_40 = vector.broadcast %gt3A_39 : i32 to vector<512x8xi32>
      %gt3A_41 = arith.cmpi sgt, %iota3A, %gt3A_40 : vector<512x8xi32>
      %and3A_42 = arith.andi %eq3A_38, %gt3A_41 : vector<512x8xi1>
      %or3A_43 = arith.ori %gt3A_36, %and3A_42 : vector<512x8xi1>
      %convert_element_type3A_44 = arith.extui %or3A_43 : vector<512x8xi1> to vector<512x8xi32>
      %convert_element_type3A_45 = arith.sitofp %convert_element_type3A_44 : vector<512x8xi32> to vector<512x8xf32>
      %add3A = arith.addf %broadcast_in_dim3A_35, %convert_element_type3A_45 : vector<512x8xf32>
      %slice3A_46 = vector.extract_strided_slice %dot_general3A_34 {offsets = [0, 1], sizes = [512, 1], strides = [1, 1]} : vector<512x8xf32> to vector<512x1xf32>
      %gt3A_47 = vector.broadcast %slice3A_46 : vector<512x1xf32> to vector<512x8xf32>
      %gt3A_48 = arith.cmpf ogt, %gt3A_47, %dot_general3A_34 : vector<512x8xf32>
      %eq3A_49 = vector.broadcast %slice3A_46 : vector<512x1xf32> to vector<512x8xf32>
      %eq3A_50 = arith.cmpf oeq, %eq3A_49, %dot_general3A_34 : vector<512x8xf32>
      %gt3A_51 = arith.constant 1 : i32
      %gt3A_52 = vector.broadcast %gt3A_51 : i32 to vector<512x8xi32>
      %gt3A_53 = arith.cmpi sgt, %iota3A, %gt3A_52 : vector<512x8xi32>
      %and3A_54 = arith.andi %eq3A_50, %gt3A_53 : vector<512x8xi1>
      %or3A_55 = arith.ori %gt3A_48, %and3A_54 : vector<512x8xi1>
      %convert_element_type3A_56 = arith.extui %or3A_55 : vector<512x8xi1> to vector<512x8xi32>
      %convert_element_type3A_57 = arith.sitofp %convert_element_type3A_56 : vector<512x8xi32> to vector<512x8xf32>
      %add3A_58 = arith.addf %add3A, %convert_element_type3A_57 : vector<512x8xf32>
      %slice3A_59 = vector.extract_strided_slice %dot_general3A_34 {offsets = [0, 2], sizes = [512, 1], strides = [1, 1]} : vector<512x8xf32> to vector<512x1xf32>
      %gt3A_60 = vector.broadcast %slice3A_59 : vector<512x1xf32> to vector<512x8xf32>
      %gt3A_61 = arith.cmpf ogt, %gt3A_60, %dot_general3A_34 : vector<512x8xf32>
      %eq3A_62 = vector.broadcast %slice3A_59 : vector<512x1xf32> to vector<512x8xf32>
      %eq3A_63 = arith.cmpf oeq, %eq3A_62, %dot_general3A_34 : vector<512x8xf32>
      %gt3A_64 = arith.constant 2 : i32
      %gt3A_65 = vector.broadcast %gt3A_64 : i32 to vector<512x8xi32>
      %gt3A_66 = arith.cmpi sgt, %iota3A, %gt3A_65 : vector<512x8xi32>
      %and3A_67 = arith.andi %eq3A_63, %gt3A_66 : vector<512x8xi1>
      %or3A_68 = arith.ori %gt3A_61, %and3A_67 : vector<512x8xi1>
      %convert_element_type3A_69 = arith.extui %or3A_68 : vector<512x8xi1> to vector<512x8xi32>
      %convert_element_type3A_70 = arith.sitofp %convert_element_type3A_69 : vector<512x8xi32> to vector<512x8xf32>
      %add3A_71 = arith.addf %add3A_58, %convert_element_type3A_70 : vector<512x8xf32>
      %slice3A_72 = vector.extract_strided_slice %dot_general3A_34 {offsets = [0, 3], sizes = [512, 1], strides = [1, 1]} : vector<512x8xf32> to vector<512x1xf32>
      %gt3A_73 = vector.broadcast %slice3A_72 : vector<512x1xf32> to vector<512x8xf32>
      %gt3A_74 = arith.cmpf ogt, %gt3A_73, %dot_general3A_34 : vector<512x8xf32>
      %eq3A_75 = vector.broadcast %slice3A_72 : vector<512x1xf32> to vector<512x8xf32>
      %eq3A_76 = arith.cmpf oeq, %eq3A_75, %dot_general3A_34 : vector<512x8xf32>
      %gt3A_77 = arith.constant 3 : i32
      %gt3A_78 = vector.broadcast %gt3A_77 : i32 to vector<512x8xi32>
      %gt3A_79 = arith.cmpi sgt, %iota3A, %gt3A_78 : vector<512x8xi32>
      %and3A_80 = arith.andi %eq3A_76, %gt3A_79 : vector<512x8xi1>
      %or3A_81 = arith.ori %gt3A_74, %and3A_80 : vector<512x8xi1>
      %convert_element_type3A_82 = arith.extui %or3A_81 : vector<512x8xi1> to vector<512x8xi32>
      %convert_element_type3A_83 = arith.sitofp %convert_element_type3A_82 : vector<512x8xi32> to vector<512x8xf32>
      %add3A_84 = arith.addf %add3A_71, %convert_element_type3A_83 : vector<512x8xf32>
      %slice3A_85 = vector.extract_strided_slice %dot_general3A_34 {offsets = [0, 4], sizes = [512, 1], strides = [1, 1]} : vector<512x8xf32> to vector<512x1xf32>
      %gt3A_86 = vector.broadcast %slice3A_85 : vector<512x1xf32> to vector<512x8xf32>
      %gt3A_87 = arith.cmpf ogt, %gt3A_86, %dot_general3A_34 : vector<512x8xf32>
      %eq3A_88 = vector.broadcast %slice3A_85 : vector<512x1xf32> to vector<512x8xf32>
      %eq3A_89 = arith.cmpf oeq, %eq3A_88, %dot_general3A_34 : vector<512x8xf32>
      %gt3A_90 = arith.constant 4 : i32
      %gt3A_91 = vector.broadcast %gt3A_90 : i32 to vector<512x8xi32>
      %gt3A_92 = arith.cmpi sgt, %iota3A, %gt3A_91 : vector<512x8xi32>
      %and3A_93 = arith.andi %eq3A_89, %gt3A_92 : vector<512x8xi1>
      %or3A_94 = arith.ori %gt3A_87, %and3A_93 : vector<512x8xi1>
      %convert_element_type3A_95 = arith.extui %or3A_94 : vector<512x8xi1> to vector<512x8xi32>
      %convert_element_type3A_96 = arith.sitofp %convert_element_type3A_95 : vector<512x8xi32> to vector<512x8xf32>
      %add3A_97 = arith.addf %add3A_84, %convert_element_type3A_96 : vector<512x8xf32>
      %slice3A_98 = vector.extract_strided_slice %dot_general3A_34 {offsets = [0, 5], sizes = [512, 1], strides = [1, 1]} : vector<512x8xf32> to vector<512x1xf32>
      %gt3A_99 = vector.broadcast %slice3A_98 : vector<512x1xf32> to vector<512x8xf32>
      %gt3A_100 = arith.cmpf ogt, %gt3A_99, %dot_general3A_34 : vector<512x8xf32>
      %eq3A_101 = vector.broadcast %slice3A_98 : vector<512x1xf32> to vector<512x8xf32>
      %eq3A_102 = arith.cmpf oeq, %eq3A_101, %dot_general3A_34 : vector<512x8xf32>
      %gt3A_103 = arith.constant 5 : i32
      %gt3A_104 = vector.broadcast %gt3A_103 : i32 to vector<512x8xi32>
      %gt3A_105 = arith.cmpi sgt, %iota3A, %gt3A_104 : vector<512x8xi32>
      %and3A_106 = arith.andi %eq3A_102, %gt3A_105 : vector<512x8xi1>
      %or3A_107 = arith.ori %gt3A_100, %and3A_106 : vector<512x8xi1>
      %convert_element_type3A_108 = arith.extui %or3A_107 : vector<512x8xi1> to vector<512x8xi32>
      %convert_element_type3A_109 = arith.sitofp %convert_element_type3A_108 : vector<512x8xi32> to vector<512x8xf32>
      %add3A_110 = arith.addf %add3A_97, %convert_element_type3A_109 : vector<512x8xf32>
      %slice3A_111 = vector.extract_strided_slice %dot_general3A_34 {offsets = [0, 6], sizes = [512, 1], strides = [1, 1]} : vector<512x8xf32> to vector<512x1xf32>
      %gt3A_112 = vector.broadcast %slice3A_111 : vector<512x1xf32> to vector<512x8xf32>
      %gt3A_113 = arith.cmpf ogt, %gt3A_112, %dot_general3A_34 : vector<512x8xf32>
      %eq3A_114 = vector.broadcast %slice3A_111 : vector<512x1xf32> to vector<512x8xf32>
      %eq3A_115 = arith.cmpf oeq, %eq3A_114, %dot_general3A_34 : vector<512x8xf32>
      %gt3A_116 = arith.constant 6 : i32
      %gt3A_117 = vector.broadcast %gt3A_116 : i32 to vector<512x8xi32>
      %gt3A_118 = arith.cmpi sgt, %iota3A, %gt3A_117 : vector<512x8xi32>
      %and3A_119 = arith.andi %eq3A_115, %gt3A_118 : vector<512x8xi1>
      %or3A_120 = arith.ori %gt3A_113, %and3A_119 : vector<512x8xi1>
      %convert_element_type3A_121 = arith.extui %or3A_120 : vector<512x8xi1> to vector<512x8xi32>
      %convert_element_type3A_122 = arith.sitofp %convert_element_type3A_121 : vector<512x8xi32> to vector<512x8xf32>
      %add3A_123 = arith.addf %add3A_110, %convert_element_type3A_122 : vector<512x8xf32>
      %slice3A_124 = vector.extract_strided_slice %dot_general3A_34 {offsets = [0, 7], sizes = [512, 1], strides = [1, 1]} : vector<512x8xf32> to vector<512x1xf32>
      %gt3A_125 = vector.broadcast %slice3A_124 : vector<512x1xf32> to vector<512x8xf32>
      %gt3A_126 = arith.cmpf ogt, %gt3A_125, %dot_general3A_34 : vector<512x8xf32>
      %eq3A_127 = vector.broadcast %slice3A_124 : vector<512x1xf32> to vector<512x8xf32>
      %eq3A_128 = arith.cmpf oeq, %eq3A_127, %dot_general3A_34 : vector<512x8xf32>
      %gt3A_129 = arith.constant 7 : i32
      %gt3A_130 = vector.broadcast %gt3A_129 : i32 to vector<512x8xi32>
      %gt3A_131 = arith.cmpi sgt, %iota3A, %gt3A_130 : vector<512x8xi32>
      %and3A_132 = arith.andi %eq3A_128, %gt3A_131 : vector<512x8xi1>
      %or3A_133 = arith.ori %gt3A_126, %and3A_132 : vector<512x8xi1>
      %convert_element_type3A_134 = arith.extui %or3A_133 : vector<512x8xi1> to vector<512x8xi32>
      %convert_element_type3A_135 = arith.sitofp %convert_element_type3A_134 : vector<512x8xi32> to vector<512x8xf32>
      %add3A_136 = arith.addf %add3A_123, %convert_element_type3A_135 : vector<512x8xf32>
      %mul3A = arith.constant 512 : i32
      %mul3A_137 = arith.muli %arg0, %mul3A : i32
      %lt3A_138 = arith.constant 2.000000e+00 : f32
      %lt3A_139 = vector.broadcast %lt3A_138 : f32 to vector<512x8xf32>
      %lt3A_140 = arith.cmpf olt, %add3A_136, %lt3A_139 : vector<512x8xf32>
      %logistic3A = arith.negf %dot_general3A_34 : vector<512x8xf32>
      %logistic3A_141 = math.exp %logistic3A : vector<512x8xf32>
      %logistic3A_142 = arith.constant 1.000000e+00 : f32
      %logistic3A_143 = vector.broadcast %logistic3A_142 : f32 to vector<512x8xf32>
      %logistic3A_144 = arith.addf %logistic3A_143, %logistic3A_141 : vector<512x8xf32>
      %logistic3A_145 = arith.divf %logistic3A_143, %logistic3A_144 : vector<512x8xf32>
      %jit3A = arith.constant 0.000000e+00 : f32
      %broadcast_in_dim3A_146 = vector.broadcast %jit3A : f32 to vector<512x8xf32>
      %select_n3A = arith.select %lt3A_140, %logistic3A_145, %broadcast_in_dim3A_146 : vector<512x8xi1>, vector<512x8xf32>
      %swap3A_147 = arith.index_cast %mul3A_137 : i32 to index
      %swap3A_148 = arith.constant 0 : index
      %swap3A_149 = vector.load %arg12[%swap3A_147, %swap3A_148] : memref<4096x8xf32, #tpu.memory_space<vmem>>, vector<512x8xf32>
      tpu.vector_store %arg12[%swap3A_147, %swap3A_148], %select_n3A {strides = array<i32>} : memref<4096x8xf32, #tpu.memory_space<vmem>>, vector<512x8xf32>,
      %swap3A_150 = arith.index_cast %mul3A_137 : i32 to index
      %swap3A_151 = arith.constant 0 : index
      %swap3A_152 = vector.load %arg13[%swap3A_150, %swap3A_151] : memref<4096x8xf32, #tpu.memory_space<vmem>>, vector<512x8xf32>
      tpu.vector_store %arg13[%swap3A_150, %swap3A_151], %add3A_136 {strides = array<i32>} : memref<4096x8xf32, #tpu.memory_space<vmem>>, vector<512x8xf32>,
      %lt3A_153 = arith.constant 2.000000e+00 : f32
      %lt3A_154 = vector.broadcast %lt3A_153 : f32 to vector<512x8xf32>
      %lt3A_155 = arith.cmpf olt, %add3A_136, %lt3A_154 : vector<512x8xf32>
      %convert_element_type3A_156 = arith.extui %lt3A_155 : vector<512x8xi1> to vector<512x8xi32>
      %convert_element_type3A_157 = arith.sitofp %convert_element_type3A_156 : vector<512x8xi32> to vector<512x8xf32>
      %get3A_158 = arith.constant 0 : index
      %get3A_159 = arith.constant 0 : index
      %get3A_160 = vector.load %arg3[%get3A_158, %get3A_159] : memref<512x512xf32, #tpu.memory_space<vmem>>, vector<512x512xf32>
      %dot_general3A_161 = arith.constant dense<0.000000e+00> : vector<512x8xf32>
      %dot_general3A_162 = tpu.matmul %get3A_160, %convert_element_type3A_157, %dot_general3A_161 {dimension_numbers = #tpu.dot_dimension_numbers<[1], [0], [0], [1], [0, 0, 1, 1], [], []>, transpose_lhs_hint = false} : vector<512x512xf32>, vector<512x8xf32>, vector<512x8xf32> -> vector<512x8xf32>
      %get3A_163 = arith.constant 0 : index
      %get3A_164 = arith.constant 0 : index
      %get3A_165 = vector.load %arg11[%get3A_163, %get3A_164] : memref<1x8xf32, #tpu.memory_space<vmem>>, vector<1x8xf32>
      %add3A_166 = vector.broadcast %get3A_165 : vector<1x8xf32> to vector<512x8xf32>
      %add3A_167 = arith.addf %dot_general3A_162, %add3A_166 : vector<512x8xf32>
      %swap3A_168 = arith.index_cast %mul3A_137 : i32 to index
      %swap3A_169 = arith.constant 0 : index
      %swap3A_170 = vector.load %arg14[%swap3A_168, %swap3A_169] : memref<4096x8xf32, #tpu.memory_space<vmem>>, vector<512x8xf32>
      tpu.vector_store %arg14[%swap3A_168, %swap3A_169], %add3A_167 {strides = array<i32>} : memref<4096x8xf32, #tpu.memory_space<vmem>>, vector<512x8xf32>,
      %get3A_171 = arith.constant 0 : index
      %get3A_172 = arith.constant 0 : index
      %get3A_173 = vector.load %arg11[%get3A_171, %get3A_172] : memref<1x8xf32, #tpu.memory_space<vmem>>, vector<1x8xf32>
      %reduce_sum3A = arith.constant dense<0.000000e+00> : vector<8xf32>
      %reduce_sum3A_174 = vector.multi_reduction <add>, %convert_element_type3A_157, %reduce_sum3A [0] : vector<512x8xf32> to vector<8xf32>
      %broadcast_in_dim3A_175 = vector.shape_cast %reduce_sum3A_174 : vector<8xf32> to vector<1x8xf32>
      %add3A_176 = arith.addf %get3A_173, %broadcast_in_dim3A_175 : vector<1x8xf32>
      %swap3A_177 = arith.constant 0 : index
      %swap3A_178 = arith.constant 0 : index
      %swap3A_179 = vector.load %arg11[%swap3A_177, %swap3A_178] : memref<1x8xf32, #tpu.memory_space<vmem>>, vector<1x8xf32>
      tpu.vector_store %arg11[%swap3A_177, %swap3A_178], %add3A_176 {strides = array<i32>} : memref<1x8xf32, #tpu.memory_space<vmem>>, vector<1x8xf32>,
    } else {
    }
    %eq3A_6 = arith.constant 8 : i32
    %eq3A_7 = arith.cmpi eq, %arg0, %eq3A_6 : i32
    %convert_element_type3A_8 = arith.extui %eq3A_7 : i1 to i32
    %cond3A_9 = arith.constant 0 : i32
    %cond3A_10 = arith.cmpi ne, %convert_element_type3A_8, %cond3A_9 : i32
    scf.if %cond3A_10 {
      %get3A = arith.constant 0 : index
      %get3A_11 = arith.constant 0 : index
      %get3A_12 = vector.load %arg11[%get3A, %get3A_11] : memref<1x8xf32, #tpu.memory_space<vmem>>, vector<1x8xf32>
      %add3A = arith.constant 2.550000e+02 : f32
      %add3A_13 = vector.broadcast %add3A : f32 to vector<1x8xf32>
      %add3A_14 = arith.addf %get3A_12, %add3A_13 : vector<1x8xf32>
      %div3A = arith.constant 2.560000e+02 : f32
      %div3A_15 = vector.broadcast %div3A : f32 to vector<1x8xf32>
      %div3A_16 = arith.divf %add3A_14, %div3A_15 : vector<1x8xf32>
      %floor3A = math.floor %div3A_16 : vector<1x8xf32>
      %get3A_17 = arith.constant 0 : index
      %get3A_18 = arith.constant 0 : index
      %get3A_19 = vector.load %arg4[%get3A_17, %get3A_18] : memref<8x8xf32, #tpu.memory_space<vmem>>, vector<8x8xf32>
      %dot_general3A = arith.constant dense<0.000000e+00> : vector<1x8xf32>
      %dot_general3A_20 = tpu.matmul %floor3A, %get3A_19, %dot_general3A {dimension_numbers = #tpu.dot_dimension_numbers<[1], [0], [0], [1], [0, 0, 1, 1], [], []>, transpose_lhs_hint = false} : vector<1x8xf32>, vector<8x8xf32>, vector<1x8xf32> -> vector<1x8xf32>
      %get3A_21 = arith.constant 0 : index
      %get3A_22 = arith.constant 0 : index
      %get3A_23 = vector.load %arg12[%get3A_21, %get3A_22] : memref<4096x8xf32, #tpu.memory_space<vmem>>, vector<4096x8xf32>
      %get3A_24 = arith.constant 0 : index
      %get3A_25 = arith.constant 0 : index
      %get3A_26 = vector.load %arg13[%get3A_24, %get3A_25] : memref<4096x8xf32, #tpu.memory_space<vmem>>, vector<4096x8xf32>
      %get3A_27 = arith.constant 0 : index
      %get3A_28 = arith.constant 0 : index
      %get3A_29 = vector.load %arg14[%get3A_27, %get3A_28] : memref<4096x8xf32, #tpu.memory_space<vmem>>, vector<4096x8xf32>
      %lt3A_30 = arith.constant 2.000000e+00 : f32
      %lt3A_31 = vector.broadcast %lt3A_30 : f32 to vector<4096x8xf32>
      %lt3A_32 = arith.cmpf olt, %get3A_26, %lt3A_31 : vector<4096x8xf32>
      %iota3A = tpu.iota {dimensions = array<i32: 1>} : vector<4096x8xi32>
      %convert_element_type3A_33 = arith.sitofp %iota3A : vector<4096x8xi32> to vector<4096x8xf32>
      %jit3A = arith.constant 9.900000e+01 : f32
      %broadcast_in_dim3A = vector.broadcast %jit3A : f32 to vector<4096x8xf32>
      %select_n3A = arith.select %lt3A_32, %convert_element_type3A_33, %broadcast_in_dim3A : vector<4096x8xi1>, vector<4096x8xf32>
      %reduce_min3A = arith.constant dense<0x7F800000> : vector<4096xf32>
      %reduce_min3A_34 = vector.multi_reduction <minimumf>, %select_n3A, %reduce_min3A [1] : vector<4096x8xf32> to vector<4096xf32>
      %broadcast_in_dim3A_35 = vector.shape_cast %reduce_min3A_34 : vector<4096xf32> to vector<4096x1xf32>
      %jit3A_36 = arith.constant -1.000000e+00 : f32
      %broadcast_in_dim3A_37 = vector.broadcast %jit3A_36 : f32 to vector<4096x8xf32>
      %select_n3A_38 = arith.select %lt3A_32, %convert_element_type3A_33, %broadcast_in_dim3A_37 : vector<4096x8xi1>, vector<4096x8xf32>
      %reduce_max3A = arith.constant dense<0xFF800000> : vector<4096xf32>
      %reduce_max3A_39 = vector.multi_reduction <maximumf>, %select_n3A_38, %reduce_max3A [1] : vector<4096x8xf32> to vector<4096xf32>
      %broadcast_in_dim3A_40 = vector.shape_cast %reduce_max3A_39 : vector<4096xf32> to vector<4096x1xf32>
      %eq3A_41 = vector.broadcast %broadcast_in_dim3A_35 : vector<4096x1xf32> to vector<4096x8xf32>
      %eq3A_42 = arith.cmpf oeq, %convert_element_type3A_33, %eq3A_41 : vector<4096x8xf32>
      %convert_element_type3A_43 = arith.extui %eq3A_42 : vector<4096x8xi1> to vector<4096x8xi32>
      %convert_element_type3A_44 = arith.sitofp %convert_element_type3A_43 : vector<4096x8xi32> to vector<4096x8xf32>
      %eq3A_45 = vector.broadcast %broadcast_in_dim3A_40 : vector<4096x1xf32> to vector<4096x8xf32>
      %eq3A_46 = arith.cmpf oeq, %convert_element_type3A_33, %eq3A_45 : vector<4096x8xf32>
      %convert_element_type3A_47 = arith.extui %eq3A_46 : vector<4096x8xi1> to vector<4096x8xi32>
      %convert_element_type3A_48 = arith.sitofp %convert_element_type3A_47 : vector<4096x8xi32> to vector<4096x8xf32>
      %mul3A = arith.mulf %get3A_23, %convert_element_type3A_44 : vector<4096x8xf32>
      %reduce_sum3A = arith.constant dense<0.000000e+00> : vector<4096xf32>
      %reduce_sum3A_49 = vector.multi_reduction <add>, %mul3A, %reduce_sum3A [1] : vector<4096x8xf32> to vector<4096xf32>
      %broadcast_in_dim3A_50 = vector.shape_cast %reduce_sum3A_49 : vector<4096xf32> to vector<4096x1xf32>
      %swap3A = arith.constant 0 : index
      %swap3A_51 = arith.constant 0 : index
      %swap3A_52 = vector.load %arg8[%swap3A, %swap3A_51] : memref<4096x1xf32, #tpu.memory_space<vmem>>, vector<4096x1xf32>
      tpu.vector_store %arg8[%swap3A, %swap3A_51], %broadcast_in_dim3A_50 {strides = array<i32>} : memref<4096x1xf32, #tpu.memory_space<vmem>>, vector<4096x1xf32>,
      %mul3A_53 = arith.mulf %get3A_23, %convert_element_type3A_48 : vector<4096x8xf32>
      %reduce_sum3A_54 = arith.constant dense<0.000000e+00> : vector<4096xf32>
      %reduce_sum3A_55 = vector.multi_reduction <add>, %mul3A_53, %reduce_sum3A_54 [1] : vector<4096x8xf32> to vector<4096xf32>
      %broadcast_in_dim3A_56 = vector.shape_cast %reduce_sum3A_55 : vector<4096xf32> to vector<4096x1xf32>
      %swap3A_57 = arith.constant 0 : index
      %swap3A_58 = arith.constant 0 : index
      %swap3A_59 = vector.load %arg9[%swap3A_57, %swap3A_58] : memref<4096x1xf32, #tpu.memory_space<vmem>>, vector<4096x1xf32>
      tpu.vector_store %arg9[%swap3A_57, %swap3A_58], %broadcast_in_dim3A_56 {strides = array<i32>} : memref<4096x1xf32, #tpu.memory_space<vmem>>, vector<4096x1xf32>,
      %mul3A_60 = vector.broadcast %dot_general3A_20 : vector<1x8xf32> to vector<4096x8xf32>
      %mul3A_61 = arith.mulf %mul3A_60, %convert_element_type3A_44 : vector<4096x8xf32>
      %reduce_sum3A_62 = arith.constant dense<0.000000e+00> : vector<4096xf32>
      %reduce_sum3A_63 = vector.multi_reduction <add>, %mul3A_61, %reduce_sum3A_62 [1] : vector<4096x8xf32> to vector<4096xf32>
      %broadcast_in_dim3A_64 = vector.shape_cast %reduce_sum3A_63 : vector<4096xf32> to vector<4096x1xf32>
      %mul3A_65 = arith.constant 2.560000e+02 : f32
      %mul3A_66 = vector.broadcast %mul3A_65 : f32 to vector<4096x1xf32>
      %mul3A_67 = arith.mulf %broadcast_in_dim3A_64, %mul3A_66 : vector<4096x1xf32>
      %mul3A_68 = vector.broadcast %dot_general3A_20 : vector<1x8xf32> to vector<4096x8xf32>
      %mul3A_69 = arith.mulf %mul3A_68, %convert_element_type3A_48 : vector<4096x8xf32>
      %reduce_sum3A_70 = arith.constant dense<0.000000e+00> : vector<4096xf32>
      %reduce_sum3A_71 = vector.multi_reduction <add>, %mul3A_69, %reduce_sum3A_70 [1] : vector<4096x8xf32> to vector<4096xf32>
      %broadcast_in_dim3A_72 = vector.shape_cast %reduce_sum3A_71 : vector<4096xf32> to vector<4096x1xf32>
      %mul3A_73 = arith.constant 2.560000e+02 : f32
      %mul3A_74 = vector.broadcast %mul3A_73 : f32 to vector<4096x1xf32>
      %mul3A_75 = arith.mulf %broadcast_in_dim3A_72, %mul3A_74 : vector<4096x1xf32>
      %mul3A_76 = arith.mulf %get3A_29, %convert_element_type3A_44 : vector<4096x8xf32>
      %reduce_sum3A_77 = arith.constant dense<0.000000e+00> : vector<4096xf32>
      %reduce_sum3A_78 = vector.multi_reduction <add>, %mul3A_76, %reduce_sum3A_77 [1] : vector<4096x8xf32> to vector<4096xf32>
      %broadcast_in_dim3A_79 = vector.shape_cast %reduce_sum3A_78 : vector<4096xf32> to vector<4096x1xf32>
      %mul3A_80 = arith.mulf %get3A_29, %convert_element_type3A_48 : vector<4096x8xf32>
      %reduce_sum3A_81 = arith.constant dense<0.000000e+00> : vector<4096xf32>
      %reduce_sum3A_82 = vector.multi_reduction <add>, %mul3A_80, %reduce_sum3A_81 [1] : vector<4096x8xf32> to vector<4096xf32>
      %broadcast_in_dim3A_83 = vector.shape_cast %reduce_sum3A_82 : vector<4096xf32> to vector<4096x1xf32>
      %add3A_84 = arith.addf %mul3A_67, %broadcast_in_dim3A_79 : vector<4096x1xf32>
      %convert_element_type3A_85 = arith.fptosi %add3A_84 : vector<4096x1xf32> to vector<4096x1xi32>
      %swap3A_86 = arith.constant 0 : index
      %swap3A_87 = arith.constant 0 : index
      %swap3A_88 = vector.load %arg6[%swap3A_86, %swap3A_87] : memref<4096x1xi32, #tpu.memory_space<vmem>>, vector<4096x1xi32>
      tpu.vector_store %arg6[%swap3A_86, %swap3A_87], %convert_element_type3A_85 {strides = array<i32>} : memref<4096x1xi32, #tpu.memory_space<vmem>>, vector<4096x1xi32>,
      %add3A_89 = arith.addf %mul3A_75, %broadcast_in_dim3A_83 : vector<4096x1xf32>
      %convert_element_type3A_90 = arith.fptosi %add3A_89 : vector<4096x1xf32> to vector<4096x1xi32>
      %swap3A_91 = arith.constant 0 : index
      %swap3A_92 = arith.constant 0 : index
      %swap3A_93 = vector.load %arg7[%swap3A_91, %swap3A_92] : memref<4096x1xi32, #tpu.memory_space<vmem>>, vector<4096x1xi32>
      tpu.vector_store %arg7[%swap3A_91, %swap3A_92], %convert_element_type3A_90 {strides = array<i32>} : memref<4096x1xi32, #tpu.memory_space<vmem>>, vector<4096x1xi32>,
      %iota3A_94 = tpu.iota {dimensions = array<i32: 0>} : vector<40x1xi32>
      %convert_element_type3A_95 = arith.sitofp %iota3A_94 : vector<40x1xi32> to vector<40x1xf32>
      %ge3A = vector.broadcast %convert_element_type3A_95 : vector<40x1xf32> to vector<40x8xf32>
      %ge3A_96 = vector.broadcast %dot_general3A_20 : vector<1x8xf32> to vector<40x8xf32>
      %ge3A_97 = arith.cmpf oge, %ge3A, %ge3A_96 : vector<40x8xf32>
      %convert_element_type3A_98 = arith.extui %ge3A_97 : vector<40x8xi1> to vector<40x8xi32>
      %convert_element_type3A_99 = arith.sitofp %convert_element_type3A_98 : vector<40x8xi32> to vector<40x8xf32>
      %reduce_sum3A_100 = arith.constant dense<0.000000e+00> : vector<40xf32>
      %reduce_sum3A_101 = vector.multi_reduction <add>, %convert_element_type3A_99, %reduce_sum3A_100 [1] : vector<40x8xf32> to vector<40xf32>
      %broadcast_in_dim3A_102 = vector.shape_cast %reduce_sum3A_101 : vector<40xf32> to vector<40x1xf32>
      %sub3A = arith.constant 1.000000e+00 : f32
      %sub3A_103 = vector.broadcast %sub3A : f32 to vector<40x1xf32>
      %sub3A_104 = arith.subf %broadcast_in_dim3A_102, %sub3A_103 : vector<40x1xf32>
      %convert_element_type3A_105 = arith.fptosi %sub3A_104 : vector<40x1xf32> to vector<40x1xi32>
      %swap3A_106 = arith.constant 0 : index
      %swap3A_107 = arith.constant 0 : index
      %swap3A_108 = vector.load %arg10[%swap3A_106, %swap3A_107] : memref<40x1xi32, #tpu.memory_space<vmem>>, vector<40x1xi32>
      tpu.vector_store %arg10[%swap3A_106, %swap3A_107], %convert_element_type3A_105 {strides = array<i32>} : memref<40x1xi32, #tpu.memory_space<vmem>>, vector<40x1xi32>,
    } else {
    }
    return
  }
  func.func @transform_0(%arg0: i32) -> (i32, i32) {
    %min3A = arith.constant 7 : i32
    %min3A_0 = arith.minsi %arg0, %min3A : i32
    %c0_i32 = arith.constant 0 : i32
    %c0_i32_1 = arith.constant 0 : i32
    return %min3A_0, %c0_i32 : i32, i32
  }
  func.func @transform_1(%arg0: i32) -> (i32, i32) {
    %c0_i32 = arith.constant 0 : i32
    %c0_i32_0 = arith.constant 0 : i32
    %c0_i32_1 = arith.constant 0 : i32
    return %c0_i32, %c0_i32_0 : i32, i32
  }
  func.func @transform_2(%arg0: i32) -> (i32, i32) {
    %c0_i32 = arith.constant 0 : i32
    %c0_i32_0 = arith.constant 0 : i32
    %c0_i32_1 = arith.constant 0 : i32
    return %c0_i32, %c0_i32_0 : i32, i32
  }
  func.func @transform_3(%arg0: i32) -> (i32, i32) {
    %c0_i32 = arith.constant 0 : i32
    %c0_i32_0 = arith.constant 0 : i32
    %c0_i32_1 = arith.constant 0 : i32
    return %c0_i32, %c0_i32_0 : i32, i32
  }
  func.func @transform_4(%arg0: i32) -> (i32, i32) {
    %min3A = arith.constant 7 : i32
    %min3A_0 = arith.minsi %arg0, %min3A : i32
    %c0_i32 = arith.constant 0 : i32
    %c0_i32_1 = arith.constant 0 : i32
    return %min3A_0, %c0_i32 : i32, i32
  }
  func.func @transform_5(%arg0: i32) -> (i32, i32) {
    %c0_i32 = arith.constant 0 : i32
    %c0_i32_0 = arith.constant 0 : i32
    %c0_i32_1 = arith.constant 0 : i32
    return %c0_i32, %c0_i32_0 : i32, i32
  }
  func.func @transform_6(%arg0: i32) -> (i32, i32) {
    %c0_i32 = arith.constant 0 : i32
    %c0_i32_0 = arith.constant 0 : i32
    %c0_i32_1 = arith.constant 0 : i32
    return %c0_i32, %c0_i32_0 : i32, i32
  }
  func.func @transform_7(%arg0: i32) -> (i32, i32) {
    %c0_i32 = arith.constant 0 : i32
    %c0_i32_0 = arith.constant 0 : i32
    %c0_i32_1 = arith.constant 0 : i32
    return %c0_i32, %c0_i32_0 : i32, i32
  }
  func.func @transform_8(%arg0: i32) -> (i32, i32) {
    %c0_i32 = arith.constant 0 : i32
    %c0_i32_0 = arith.constant 0 : i32
    %c0_i32_1 = arith.constant 0 : i32
    return %c0_i32, %c0_i32_0 : i32, i32
  }
  func.func @transform_9(%arg0: i32) -> (i32, i32) {
    %c0_i32 = arith.constant 0 : i32
    %c0_i32_0 = arith.constant 0 : i32
    %c0_i32_1 = arith.constant 0 : i32
    return %c0_i32, %c0_i32_0 : i32, i32
  }
}

module attributes {stable_mosaic.version = 14 : i64} {
  func.func @_group_body(%arg0: i32, %arg1: memref<40xi32, #tpu.memory_space<smem>>, %arg2: memref<256x512xi32, #tpu.memory_space<vmem>>, %arg3: memref<1x512x1024xf32, #tpu.memory_space<vmem>>, %arg4: memref<1x1x512xf32, #tpu.memory_space<vmem>>, %arg5: memref<1x1024x512xf32, #tpu.memory_space<vmem>>, %arg6: memref<1x1x1024xf32, #tpu.memory_space<vmem>>, %arg7: memref<256x512xi32, #tpu.memory_space<vmem>>) attributes {dimension_semantics = [#tpu.dimension_semantics<arbitrary>], iteration_bounds = array<i64: 40>, scalar_prefetch = 1 : i64, scratch_operands = 0 : i64, tpu.core_type = #tpu.core_type<tc>, window_params = [{transform_indices = @transform_0, window_bounds = array<i64: 256, 512>}, {transform_indices = @transform_1, window_bounds = array<i64: 1, 512, 1024>}, {transform_indices = @transform_2, window_bounds = array<i64: 1, 1, 512>}, {transform_indices = @transform_3, window_bounds = array<i64: 1, 1024, 512>}, {transform_indices = @transform_4, window_bounds = array<i64: 1, 1, 1024>}, {transform_indices = @transform_5, window_bounds = array<i64: 256, 512>}]} {
    %get3A = arith.constant 0 : index
    %get3A_0 = arith.constant 0 : index
    %get3A_1 = vector.load %arg2[%get3A, %get3A_0] : memref<256x512xi32, #tpu.memory_space<vmem>>, vector<256x512xi32>
    %bitcast_convert_type3A = tpu.bitcast %get3A_1 : vector<256x512xi32> -> vector<256x512xi32>
    %shift_left3A = arith.constant 16 : i32
    %shift_left3A_2 = vector.broadcast %shift_left3A : i32 to vector<256x512xi32>
    %shift_left3A_3 = arith.shli %bitcast_convert_type3A, %shift_left3A_2 : vector<256x512xi32>
    %bitcast_convert_type3A_4 = tpu.bitcast %shift_left3A_3 : vector<256x512xi32> -> vector<256x512xf32>
    %and3A = arith.constant -65536 : i32
    %and3A_5 = vector.broadcast %and3A : i32 to vector<256x512xi32>
    %and3A_6 = arith.andi %bitcast_convert_type3A, %and3A_5 : vector<256x512xi32>
    %bitcast_convert_type3A_7 = tpu.bitcast %and3A_6 : vector<256x512xi32> -> vector<256x512xf32>
    %concatenate3A = tpu.concatenate %bitcast_convert_type3A_4, %bitcast_convert_type3A_7 in 1 : vector<256x512xf32>, vector<256x512xf32> -> vector<256x1024xf32>
    %convert_element_type3A = arith.truncf %concatenate3A : vector<256x1024xf32> to vector<256x1024xbf16>
    %get3A_8 = arith.constant 0 : index
    %get3A_9 = arith.constant 0 : index
    %get3A_10 = arith.constant 0 : index
    %get3A_11 = vector.load %arg3[%get3A_8, %get3A_9, %get3A_10] : memref<1x512x1024xf32, #tpu.memory_space<vmem>>, vector<1x512x1024xf32>
    %get3A_12 = vector.shape_cast %get3A_11 : vector<1x512x1024xf32> to vector<512x1024xf32>
    %convert_element_type3A_13 = arith.truncf %get3A_12 : vector<512x1024xf32> to vector<512x1024xbf16>
    %dot_general3A = arith.constant dense<0.000000e+00> : vector<256x512xf32>
    %dot_general3A_14 = tpu.matmul %convert_element_type3A, %convert_element_type3A_13, %dot_general3A {dimension_numbers = #tpu.dot_dimension_numbers<[1], [1], [0], [0], [0, 0, 1, 0], [], []>, transpose_lhs_hint = false} : vector<256x1024xbf16>, vector<512x1024xbf16>, vector<256x512xf32> -> vector<256x512xf32>
    %get3A_15 = arith.constant 0 : index
    %get3A_16 = arith.constant 0 : index
    %get3A_17 = arith.constant 0 : index
    %get3A_18 = vector.load %arg4[%get3A_15, %get3A_16, %get3A_17] : memref<1x1x512xf32, #tpu.memory_space<vmem>>, vector<1x1x512xf32>
    %get3A_19 = vector.shape_cast %get3A_18 : vector<1x1x512xf32> to vector<1x512xf32>
    %add3A = vector.broadcast %get3A_19 : vector<1x512xf32> to vector<256x512xf32>
    %add3A_20 = arith.addf %dot_general3A_14, %add3A : vector<256x512xf32>
    %max3A = arith.constant 0.000000e+00 : f32
    %max3A_21 = vector.broadcast %max3A : f32 to vector<256x512xf32>
    %max3A_22 = arith.maximumf %add3A_20, %max3A_21 : vector<256x512xf32>
    %convert_element_type3A_23 = arith.truncf %max3A_22 : vector<256x512xf32> to vector<256x512xbf16>
    %get3A_24 = arith.constant 0 : index
    %get3A_25 = arith.constant 0 : index
    %get3A_26 = arith.constant 0 : index
    %get3A_27 = vector.load %arg5[%get3A_24, %get3A_25, %get3A_26] : memref<1x1024x512xf32, #tpu.memory_space<vmem>>, vector<1x1024x512xf32>
    %get3A_28 = vector.shape_cast %get3A_27 : vector<1x1024x512xf32> to vector<1024x512xf32>
    %convert_element_type3A_29 = arith.truncf %get3A_28 : vector<1024x512xf32> to vector<1024x512xbf16>
    %dot_general3A_30 = arith.constant dense<0.000000e+00> : vector<256x1024xf32>
    %dot_general3A_31 = tpu.matmul %convert_element_type3A_23, %convert_element_type3A_29, %dot_general3A_30 {dimension_numbers = #tpu.dot_dimension_numbers<[1], [1], [0], [0], [0, 0, 1, 0], [], []>, transpose_lhs_hint = false} : vector<256x512xbf16>, vector<1024x512xbf16>, vector<256x1024xf32> -> vector<256x1024xf32>
    %get3A_32 = arith.constant 0 : index
    %get3A_33 = arith.constant 0 : index
    %get3A_34 = arith.constant 0 : index
    %get3A_35 = vector.load %arg6[%get3A_32, %get3A_33, %get3A_34] : memref<1x1x1024xf32, #tpu.memory_space<vmem>>, vector<1x1x1024xf32>
    %get3A_36 = vector.shape_cast %get3A_35 : vector<1x1x1024xf32> to vector<1x1024xf32>
    %add3A_37 = vector.broadcast %get3A_36 : vector<1x1024xf32> to vector<256x1024xf32>
    %add3A_38 = arith.addf %dot_general3A_31, %add3A_37 : vector<256x1024xf32>
    %slice3A = vector.extract_strided_slice %add3A_38 {offsets = [0, 0], sizes = [256, 512], strides = [1, 1]} : vector<256x1024xf32> to vector<256x512xf32>
    %slice3A_39 = vector.extract_strided_slice %add3A_38 {offsets = [0, 512], sizes = [256, 512], strides = [1, 1]} : vector<256x1024xf32> to vector<256x512xf32>
    %convert_element_type3A_40 = arith.truncf %slice3A : vector<256x512xf32> to vector<256x512xbf16>
    %convert_element_type3A_41 = arith.extf %convert_element_type3A_40 : vector<256x512xbf16> to vector<256x512xf32>
    %bitcast_convert_type3A_42 = tpu.bitcast %convert_element_type3A_41 : vector<256x512xf32> -> vector<256x512xi32>
    %shift_right_logical3A = arith.constant 16 : i32
    %shift_right_logical3A_43 = vector.broadcast %shift_right_logical3A : i32 to vector<256x512xi32>
    %shift_right_logical3A_44 = arith.shrui %bitcast_convert_type3A_42, %shift_right_logical3A_43 : vector<256x512xi32>
    %convert_element_type3A_45 = arith.truncf %slice3A_39 : vector<256x512xf32> to vector<256x512xbf16>
    %convert_element_type3A_46 = arith.extf %convert_element_type3A_45 : vector<256x512xbf16> to vector<256x512xf32>
    %bitcast_convert_type3A_47 = tpu.bitcast %convert_element_type3A_46 : vector<256x512xf32> -> vector<256x512xi32>
    %and3A_48 = arith.constant -65536 : i32
    %and3A_49 = vector.broadcast %and3A_48 : i32 to vector<256x512xi32>
    %and3A_50 = arith.andi %bitcast_convert_type3A_47, %and3A_49 : vector<256x512xi32>
    %or3A = arith.ori %shift_right_logical3A_44, %and3A_50 : vector<256x512xi32>
    %bitcast_convert_type3A_51 = tpu.bitcast %or3A : vector<256x512xi32> -> vector<256x512xi32>
    %swap3A = arith.constant 0 : index
    %swap3A_52 = arith.constant 0 : index
    %swap3A_53 = vector.load %arg7[%swap3A, %swap3A_52] : memref<256x512xi32, #tpu.memory_space<vmem>>, vector<256x512xi32>
    tpu.vector_store %arg7[%swap3A, %swap3A_52], %bitcast_convert_type3A_51 {strides = array<i32>} : memref<256x512xi32, #tpu.memory_space<vmem>>, vector<256x512xi32>,
    return
  }
  func.func @transform_0(%arg0: i32, %arg1: memref<40xi32, #tpu.memory_space<smem>>) -> (i32, i32) {
    %c0_i32 = arith.constant 0 : i32
    %c0_i32_0 = arith.constant 0 : i32
    return %arg0, %c0_i32 : i32, i32
  }
  func.func @transform_1(%arg0: i32, %arg1: memref<40xi32, #tpu.memory_space<smem>>) -> (i32, i32, i32) {
    %get3A = arith.index_cast %arg0 : i32 to index
    %get3A_0 = memref.load %arg1[%get3A] : memref<40xi32, #tpu.memory_space<smem>>
    %c0_i32 = arith.constant 0 : i32
    %c0_i32_1 = arith.constant 0 : i32
    %c0_i32_2 = arith.constant 0 : i32
    return %get3A_0, %c0_i32, %c0_i32_1 : i32, i32, i32
  }
  func.func @transform_2(%arg0: i32, %arg1: memref<40xi32, #tpu.memory_space<smem>>) -> (i32, i32, i32) {
    %get3A = arith.index_cast %arg0 : i32 to index
    %get3A_0 = memref.load %arg1[%get3A] : memref<40xi32, #tpu.memory_space<smem>>
    %c0_i32 = arith.constant 0 : i32
    %c0_i32_1 = arith.constant 0 : i32
    %c0_i32_2 = arith.constant 0 : i32
    return %get3A_0, %c0_i32, %c0_i32_1 : i32, i32, i32
  }
  func.func @transform_3(%arg0: i32, %arg1: memref<40xi32, #tpu.memory_space<smem>>) -> (i32, i32, i32) {
    %get3A = arith.index_cast %arg0 : i32 to index
    %get3A_0 = memref.load %arg1[%get3A] : memref<40xi32, #tpu.memory_space<smem>>
    %c0_i32 = arith.constant 0 : i32
    %c0_i32_1 = arith.constant 0 : i32
    %c0_i32_2 = arith.constant 0 : i32
    return %get3A_0, %c0_i32, %c0_i32_1 : i32, i32, i32
  }
  func.func @transform_4(%arg0: i32, %arg1: memref<40xi32, #tpu.memory_space<smem>>) -> (i32, i32, i32) {
    %get3A = arith.index_cast %arg0 : i32 to index
    %get3A_0 = memref.load %arg1[%get3A] : memref<40xi32, #tpu.memory_space<smem>>
    %c0_i32 = arith.constant 0 : i32
    %c0_i32_1 = arith.constant 0 : i32
    %c0_i32_2 = arith.constant 0 : i32
    return %get3A_0, %c0_i32, %c0_i32_1 : i32, i32, i32
  }
  func.func @transform_5(%arg0: i32, %arg1: memref<40xi32, #tpu.memory_space<smem>>) -> (i32, i32) {
    %c0_i32 = arith.constant 0 : i32
    %c0_i32_0 = arith.constant 0 : i32
    return %arg0, %c0_i32 : i32, i32
  }
}

module attributes {stable_mosaic.version = 14 : i64} {
  func.func @_add_body(%arg0: i32, %arg1: memref<512x512xi32, #tpu.memory_space<vmem>>, %arg2: memref<512x512xi32, #tpu.memory_space<vmem>>, %arg3: memref<512x1xf32, #tpu.memory_space<vmem>>, %arg4: memref<512x1xf32, #tpu.memory_space<vmem>>, %arg5: memref<512x1024xf32, #tpu.memory_space<vmem>>) attributes {dimension_semantics = [#tpu.dimension_semantics<arbitrary>], iteration_bounds = array<i64: 8>, scalar_prefetch = 0 : i64, scratch_operands = 0 : i64, tpu.core_type = #tpu.core_type<tc>, window_params = [{transform_indices = @transform_0, window_bounds = array<i64: 512, 512>}, {transform_indices = @transform_1, window_bounds = array<i64: 512, 512>}, {transform_indices = @transform_2, window_bounds = array<i64: 512, 1>}, {transform_indices = @transform_3, window_bounds = array<i64: 512, 1>}, {transform_indices = @transform_4, window_bounds = array<i64: 512, 1024>}]} {
    %get3A = arith.constant 0 : index
    %get3A_0 = arith.constant 0 : index
    %get3A_1 = vector.load %arg1[%get3A, %get3A_0] : memref<512x512xi32, #tpu.memory_space<vmem>>, vector<512x512xi32>
    %bitcast_convert_type3A = tpu.bitcast %get3A_1 : vector<512x512xi32> -> vector<512x512xi32>
    %shift_left3A = arith.constant 16 : i32
    %shift_left3A_2 = vector.broadcast %shift_left3A : i32 to vector<512x512xi32>
    %shift_left3A_3 = arith.shli %bitcast_convert_type3A, %shift_left3A_2 : vector<512x512xi32>
    %bitcast_convert_type3A_4 = tpu.bitcast %shift_left3A_3 : vector<512x512xi32> -> vector<512x512xf32>
    %and3A = arith.constant -65536 : i32
    %and3A_5 = vector.broadcast %and3A : i32 to vector<512x512xi32>
    %and3A_6 = arith.andi %bitcast_convert_type3A, %and3A_5 : vector<512x512xi32>
    %bitcast_convert_type3A_7 = tpu.bitcast %and3A_6 : vector<512x512xi32> -> vector<512x512xf32>
    %get3A_8 = arith.constant 0 : index
    %get3A_9 = arith.constant 0 : index
    %get3A_10 = vector.load %arg2[%get3A_8, %get3A_9] : memref<512x512xi32, #tpu.memory_space<vmem>>, vector<512x512xi32>
    %bitcast_convert_type3A_11 = tpu.bitcast %get3A_10 : vector<512x512xi32> -> vector<512x512xi32>
    %shift_left3A_12 = arith.constant 16 : i32
    %shift_left3A_13 = vector.broadcast %shift_left3A_12 : i32 to vector<512x512xi32>
    %shift_left3A_14 = arith.shli %bitcast_convert_type3A_11, %shift_left3A_13 : vector<512x512xi32>
    %bitcast_convert_type3A_15 = tpu.bitcast %shift_left3A_14 : vector<512x512xi32> -> vector<512x512xf32>
    %and3A_16 = arith.constant -65536 : i32
    %and3A_17 = vector.broadcast %and3A_16 : i32 to vector<512x512xi32>
    %and3A_18 = arith.andi %bitcast_convert_type3A_11, %and3A_17 : vector<512x512xi32>
    %bitcast_convert_type3A_19 = tpu.bitcast %and3A_18 : vector<512x512xi32> -> vector<512x512xf32>
    %get3A_20 = arith.constant 0 : index
    %get3A_21 = arith.constant 0 : index
    %get3A_22 = vector.load %arg3[%get3A_20, %get3A_21] : memref<512x1xf32, #tpu.memory_space<vmem>>, vector<512x1xf32>
    %get3A_23 = arith.constant 0 : index
    %get3A_24 = arith.constant 0 : index
    %get3A_25 = vector.load %arg4[%get3A_23, %get3A_24] : memref<512x1xf32, #tpu.memory_space<vmem>>, vector<512x1xf32>
    %mul3A = vector.broadcast %get3A_22 : vector<512x1xf32> to vector<512x512xf32>
    %mul3A_26 = arith.mulf %mul3A, %bitcast_convert_type3A_4 : vector<512x512xf32>
    %mul3A_27 = vector.broadcast %get3A_25 : vector<512x1xf32> to vector<512x512xf32>
    %mul3A_28 = arith.mulf %mul3A_27, %bitcast_convert_type3A_15 : vector<512x512xf32>
    %add3A = arith.addf %mul3A_26, %mul3A_28 : vector<512x512xf32>
    %mul3A_29 = vector.broadcast %get3A_22 : vector<512x1xf32> to vector<512x512xf32>
    %mul3A_30 = arith.mulf %mul3A_29, %bitcast_convert_type3A_7 : vector<512x512xf32>
    %mul3A_31 = vector.broadcast %get3A_25 : vector<512x1xf32> to vector<512x512xf32>
    %mul3A_32 = arith.mulf %mul3A_31, %bitcast_convert_type3A_19 : vector<512x512xf32>
    %add3A_33 = arith.addf %mul3A_30, %mul3A_32 : vector<512x512xf32>
    %concatenate3A = tpu.concatenate %add3A, %add3A_33 in 1 : vector<512x512xf32>, vector<512x512xf32> -> vector<512x1024xf32>
    %swap3A = arith.constant 0 : index
    %swap3A_34 = arith.constant 0 : index
    %swap3A_35 = vector.load %arg5[%swap3A, %swap3A_34] : memref<512x1024xf32, #tpu.memory_space<vmem>>, vector<512x1024xf32>
    tpu.vector_store %arg5[%swap3A, %swap3A_34], %concatenate3A {strides = array<i32>} : memref<512x1024xf32, #tpu.memory_space<vmem>>, vector<512x1024xf32>,
    return
  }
  func.func @transform_0(%arg0: i32) -> (i32, i32) {
    %c0_i32 = arith.constant 0 : i32
    %c0_i32_0 = arith.constant 0 : i32
    return %arg0, %c0_i32 : i32, i32
  }
  func.func @transform_1(%arg0: i32) -> (i32, i32) {
    %c0_i32 = arith.constant 0 : i32
    %c0_i32_0 = arith.constant 0 : i32
    return %arg0, %c0_i32 : i32, i32
  }
  func.func @transform_2(%arg0: i32) -> (i32, i32) {
    %c0_i32 = arith.constant 0 : i32
    %c0_i32_0 = arith.constant 0 : i32
    return %arg0, %c0_i32 : i32, i32
  }
  func.func @transform_3(%arg0: i32) -> (i32, i32) {
    %c0_i32 = arith.constant 0 : i32
    %c0_i32_0 = arith.constant 0 : i32
    return %arg0, %c0_i32 : i32, i32
  }
  func.func @transform_4(%arg0: i32) -> (i32, i32) {
    %c0_i32 = arith.constant 0 : i32
    %c0_i32_0 = arith.constant 0 : i32
    return %arg0, %c0_i32 : i32, i32
  }
}

</mosaic_0001>

<sc_bundles>
// kernel: kernel.10.cloned.1.call-start
scs
__scs_entry_jumppad:
0x0: {  	(pc) =	sbr.rel $0x88, $3  }
0x1: {  	(tag) =	ssettag $0x0;
	lr =	simm.s32 $0x1  }
0x2: {  	[smem:$0x3F9B] =	sst lr;
	_ =	strace $0xD0000000  }
0x3: {  	_ = 	snop  }
0x4: {  	_ = 	snop  }
0x5: {  	_ = 	snop  }
0x6: {  	_ = 	snop  }
0x7: {  	_ = 	snop  }
__scs_overlays_trampoline_lowered:
0x8: {  	[smem:$0x3FAA] =	sst s0  }
0x9: {  	[smem:$0x3FAB] =	sst s1  }
0xa: {  	[smem:$0x3FAC] =	sst s2  }
0xb: {  	[smem:$0x3FAD] =	sst s3  }
0xc: {  	[smem:$0x3FAE] =	sst s4  }
0xd: {  	[smem:$0x3FAF] =	sst s5  }
0xe: {  	[smem:$0x3FB0] =	sst s6  }
0xf: {  	[smem:$0x3FB1] =	sst s7  }
0x10: {  	[smem:$0x3FB2] =	sst s8  }
0x11: {  	[smem:$0x3FB3] =	sst s9;
	s0 =	simm.s32 @!p0 $0x0  }
0x12: {  	s1 =	sld [smem:$0x3F99];
	s0 =	simm.s32 @p0 $0x1  }
0x13: {  	[smem:$0x3FB4] =	sst s0;
	s0 =	simm.s32 @!p1 $0x0  }
0x14: {  	s2 =	sld [smem:$0x3F98];
	s0 =	simm.s32 @p1 $0x1  }
0x15: {  	[smem:$0x3FB5] =	sst s0;
	s0 =	simm.s32 @!p2 $0x0  }
0x16: {  	s3 =	sld [smem:$0x3FDB];
	s0 =	simm.s32 @p2 $0x1  }
0x17: {  	s4 =	simm.s32 $0x1BF5;
	[smem:$0x3FB7] =	sst s0  }
0x18: {  	s0 =	sld [smem:$0x3F9A];
	_ =	swait.ge [sflag:s4], $0x0  }
0x19: {  	s7 =	sld [smem:$0x3F9B]  }
0x1a: {  	s8 =	sadd.s32 $0xFFFFE003, lr  }
0x1b: {  	s9 =	sadd.s32 $0xFFFFFEF7, lr;
	s5 =	simm.s32 $0xFFFFFFFF;
	p2 =	slt.u32 s8, $0xFFFFF086  }
0x1c: {  	p1 =	slt.u32 s9, $0xF7A;
	s5 =	simm.s32 @!p2 $0x0  }
0x1d: {  	s5 =	simm.s32 @p1 $0x1;
	p0 =	seq.s32 s7, s2  }
0x1e: {  	s7 =	smul.u32 @!p0 $0xF7A, s2;
	p2 =	seq.s32 @!p0 s5, $0x0  }
0x1f: {  	s9 =	smul.u32 $0xF7A, s1;
	s8 =	simm.s32 @!p0 $0x1BF5;
	p2 =	por !p2, p0  }
0x20: {  	[sflag:s8] =	ssyncset.s32 @!p0 $0xFFFFF086;
	s6 =	sadd.s32 @!p0 s3, s7;
	s7 =	simm.s32 @!p0 $0x108  }
0x21: {  	s3 =	sadd.s32 s3, s9;
	s6 =	sadd.s32 @!p0 $0x88, s6;
	s7 =	simm.s32 @p2 $0x1082  }
0x22: {  	[simem:s7], [sflag:s8] =	dma.local @!p0 [hbm:s6], $0xF7A  }
0x23: {  	s9 =	sor.u32 $0xD0000000, s2;
	s6 =	simm.s32 $0x108;
	_ =	swait.ge @!p0 [sflag:s8], $0x0  }
0x24: {  	s3 =	sadd.s32 $0x88, s3;
	s6 =	simm.s32 @!p1 $0x1082;
	[sflag:s4] =	ssyncset.s32 $0xFFFFF086  }
0x25: {  	[simem:s6], [sflag:s4] =	dma.local [hbm:s3], $0xF7A  }
0x26: {  	[smem:$0x3F9B] =	sst s1;
	(tag) =	ssettag s2;
	_ =	strace s9  }
0x27: {  	s1 =	sld [smem:$0x3FAB]  }
0x28: {  	s2 =	sld [smem:$0x3FAC]  }
0x29: {  	s4 =	sld [smem:$0x3FAE]  }
0x2a: {  	p0 =	seq.s32 s5, $0x0;
	s5 =	sld [smem:$0x3FAF]  }
0x2b: {  	s6 =	sld [smem:$0x3FB0]  }
0x2c: {  	s7 =	sld [smem:$0x3FB1]  }
0x2d: {  	s3 =	simm.s32 $0x108;
	s8 =	sld [smem:$0x3FB2]  }
0x2e: {  	s3 =	simm.s32 @!p0 $0x1082;
	s9 =	sld [smem:$0x3FB3]  }
0x2f: {  	lr =	sadd.s32 s0, s3;
	s0 =	sld [smem:$0x3FAA]  }
0x30: {  	s3 =	sld [smem:$0x3FAD]  }
0x31: {  	[smem:$0x3FB6] =	sst s10  }
0x32: {  	s10 =	sld [smem:$0x3FB4];
	_ =	sdelay $0x3  }
0x33: {  	p0 =	seq.s32 s10, $0x1;
	s10 =	sld [smem:$0x3FB6];
	_ =	sdelay $0x3  }
0x34: {  	[smem:$0x3FB6] =	sst s10  }
0x35: {  	s10 =	sld [smem:$0x3FB5];
	_ =	sdelay $0x3  }
0x36: {  	p1 =	seq.s32 s10, $0x1;
	s10 =	sld [smem:$0x3FB6];
	_ =	sdelay $0x3  }
0x37: {  	[smem:$0x3FB6] =	sst s10  }
0x38: {  	s10 =	sld [smem:$0x3FB7]  }
0x39: {  	_ = 	snop;
	(pc) =	sbr.ind lr, $3  }
0x3a: {  	_ = 	snop  }
0x3b: {  	_ = 	snop  }
0x3c: {  	p2 =	seq.s32 s10, $0x1;
	s10 =	sld [smem:$0x3FB6]  }
0x3d: {  	_ =	shalt  }
0x3e: {  	_ =	shalt  }
0x3f: {  	_ =	shalt  }
0x40: {  	_ =	shalt  }
0x41: {  	_ =	shalt  }
0x42: {  	_ =	shalt  }
0x43: {  	_ =	shalt  }
0x44: {  	_ =	shalt  }
0x45: {  	_ =	shalt  }
0x46: {  	_ =	shalt  }
0x47: {  	_ =	shalt  }
0x48: {  	_ =	shalt  }
0x49: {  	_ =	shalt  }
0x4a: {  	_ =	shalt  }
0x4b: {  	_ =	shalt  }
0x4c: {  	_ =	shalt  }
0x4d: {  	_ =	shalt  }
0x4e: {  	_ =	shalt  }
0x4f: {  	_ =	shalt  }
0x50: {  	_ =	shalt  }
0x51: {  	_ =	shalt  }
0x52: {  	_ =	shalt  }
0x53: {  	_ =	shalt  }
0x54: {  	_ =	shalt  }
0x55: {  	_ =	shalt  }
0x56: {  	_ =	shalt  }
0x57: {  	_ =	shalt  }
0x58: {  	_ =	shalt  }
0x59: {  	_ =	shalt  }
0x5a: {  	_ =	shalt  }
0x5b: {  	_ =	shalt  }
0x5c: {  	_ =	shalt  }
0x5d: {  	_ =	shalt  }
0x5e: {  	_ =	shalt  }
0x5f: {  	_ =	shalt  }
0x60: {  	_ =	shalt  }
0x61: {  	_ =	shalt  }
0x62: {  	_ =	shalt  }
0x63: {  	_ =	shalt  }
0x64: {  	_ =	shalt  }
0x65: {  	_ =	shalt  }
0x66: {  	_ =	shalt  }
0x67: {  	_ =	shalt  }
0x68: {  	_ =	shalt  }
0x69: {  	_ =	shalt  }
0x6a: {  	_ =	shalt  }
0x6b: {  	_ =	shalt  }
0x6c: {  	_ =	shalt  }
0x6d: {  	_ =	shalt  }
0x6e: {  	_ =	shalt  }
0x6f: {  	_ =	shalt  }
0x70: {  	_ =	shalt  }
0x71: {  	_ =	shalt  }
0x72: {  	_ =	shalt  }
0x73: {  	_ =	shalt  }
0x74: {  	_ =	shalt  }
0x75: {  	_ =	shalt  }
0x76: {  	_ =	shalt  }
0x77: {  	_ =	shalt  }
0x78: {  	_ =	shalt  }
0x79: {  	_ =	shalt  }
0x7a: {  	_ =	shalt  }
0x7b: {  	_ =	shalt  }
0x7c: {  	_ =	shalt  }
0x7d: {  	_ =	shalt  }
0x7e: {  	_ =	shalt  }
0x7f: {  	_ =	shalt  }
0x80: {  	_ =	shalt  }
0x81: {  	_ =	shalt  }
0x82: {  	_ =	shalt  }
0x83: {  	_ =	shalt  }
0x84: {  	_ =	shalt  }
0x85: {  	_ =	shalt  }
0x86: {  	_ =	shalt  }
0x87: {  	_ =	shalt  }
.Lfunc_end0:
.L_simem_size_0:
called_computation.1_lowered:
.L_overlay_start_0:
0x88: {  	s2 =	sld [smem:$0x3FD9]  }
0x89: {  	s3 =	sld [smem:$0x3FFE];
	_ =	sdelay $0x1  }
0x8a: {  	s1 =	srdreg.scid  }
0x8b: {  	s0 =	sand.u32 $0x1, s1  }
0x8c: {  	s14 =	sshll.u32 s0, $0xA;
	s2 =	sadd.s32 s3, s2  }
0x8d: {  	s2 =	sadd.s32 s2, s14  }
0x8e: {  	[smem:$0x3FC2] =	sst s2  }
0x8f: {  	_ = 	snop  }
0x90: {  	s2 =	sld [smem:$0x3FD0];
	_ =	sdelay $0x2  }
0x91: {  	s15 =	simm.s32 $0xA;
	s4 =	simm.s32 $0x10  }
0x92: {  	[smem:s4], [sflag:s15] =	dma.local [hbm:s2], $0x1  }
0x93: {  	_ =	swait.eq [sflag:s15], $0x1  }
0x94: {  	[sflag:s15] =	ssyncset.done $0x0  }
0x95: {  	[sflag:s15] =	ssyncadd.s32 $0xFFFFFFFF  }
0x96: {  	s16 =	sld [smem:$0x10];
	(tm) =	ssettm $0x1  }
0x97: {  	s17 =	sld [smem:$0x3FFB];
	_ =	sdelay $0x3  }
0x98: {  	_ =	strace s17  }
0x99: {  	s3 =	sld [smem:$0x3FFC];
	_ =	sdelay $0x3  }
0x9a: {  	_ =	strace s3  }
0x9b: {  	s3 =	sld [smem:$0x3FFD];
	_ =	sdelay $0x3  }
0x9c: {  	_ =	strace s3  }
0x9d: {  	_ =	strace $0x8FFFFFFF  }
0x9e: {  	s18 =	sld [smem:$0x3FDB];
	_ =	sdelay $0x1  }
0x9f: {  	s19 =	simm.s32 $_scs_section_size  }
0xa0: {  	s5 =	simm.s32 $_size__tile_overlayer_lowered;
	s6 =	simm.s32 $_tile_overlayer_lowered  }
0xa1: {  	s22 =	simm.s32 $0x1BFF;
	s21 =	sshll.u32 s6, $0x1;
	s3 =	sadd.s32 s19, s18  }
0xa2: {  	s7 =	simm.s32 $0x0;
	s20 =	sshll.u32 s5, $0x1;
	s5 =	sadd.s32 s21, s3  }
0xa3: {  	[timem:s7], [sflag:s22] =	dma.local [hbm:s5], s20  }
0xa4: {  	_ =	swait.ge [sflag:s22], s20  }
0xa5: {  	s4 =	ssub.s32 $0x0, s20;
	[sflag:s22] =	ssyncset.done $0x0  }
0xa6: {  	[sflag:s22] =	ssyncadd.s32 s4;
	_ =	sdelay $0x1  }
0xa7: {  	s23 =	simm.s32 $0x1B8B  }
0xa8: {  	_ =	swait.ge [sflag:s23], $0x1  }
0xa9: {  	[sflag:s23] =	ssyncset.done $0x0  }
0xaa: {  	s25 =	simm.s32 $0x1B8E;
	s24 =	sld [smem:$0x3FFE];
	[sflag:s23] =	ssyncadd.s32 $0xFFFFFFFF  }
0xab: {  	s26 =	simm.s32 $execute0_lowered;
	[smem:$0x3FD2] =	sst s25  }
0xac: {  	s5 =	sshll.u32 s26, $0x1;
	_ =	strace $0x80000049;
	[dreg:$0x1] =	wrdreg $0xFFFFFFFF  }
0xad: {  	s28 =	simm.s32 $_size_execute0_lowered;
	s3 =	sadd.s32 s3, s5;
	[dreg:$0x0] =	wrdreg $0x0  }
0xae: {  	s5 =	sshll.u32 s28, $0x1;
	[dreg:$0x2] =	wrdreg s3  }
0xaf: {  	[dreg:$0x3] =	wrdreg s5  }
0xb0: {  	[dreg:$0x4] =	wrdreg $0xC0  }
0xb1: {  	_ =	task [dreg:s7], $0x5FFFF  }
0xb2: {  	[dreg:$0x1] =	wrdreg $0xFFFFFFFF  }
0xb3: {  	[dreg:$0x0] =	wrdreg $0x60  }
0xb4: {  	[dreg:$0x2] =	wrdreg s24  }
0xb5: {  	[dreg:$0x3] =	wrdreg s16  }
0xb6: {  	[dreg:$0x4] =	wrdreg $0x9  }
0xb7: {  	_ =	task.clear_ibuf [dreg:s7], $0x5FFFF;
	_ =	strace $0x90000049  }
0xb8: {  	s29 =	simm.s32 $0x9;
	_ =	strace $0x8000004B  }
0xb9: {  	_ =	swait.ge [sflag:s29], $0x1  }
0xba: {  	[sflag:s29] =	ssyncadd.s32 $0xFFFFFFFF  }
0xbb: {  	_ =	strace $0x9000004B  }
0xbc: {  	_ =	sfence  }
0xbd: {  	s30 =	sld [smem:$0x0];
	_ =	sdelay $0x2  }
0xbe: {  	s31 =	sshll.u32 s1, $0xD;
	s1 =	sshrl.u32 s1, $0x2  }
0xbf: {  	s3 =	sand.u32 $0x4000, s31;
	s1 =	sadd.s32 s1, s30  }
0xc0: {  	s0 =	sor.u32 s3, s0;
	s1 =	sshll.u32 s1, $0x11  }
0xc1: {  	s0 =	sor.u32 s1, s0  }
0xc2: {  	s0 =	sadd.s32 $0x8F2B, s0  }
0xc3: {  	[sflag:s0] =	ssyncadd.remote.s32 $0x1  }
0xc4: {  	_ =	sfence.sel $0xFFFF  }
0xc5: {  	[dreg:$0x0] =	wrdreg $0xFFFFFFFF;
	(pc) =	sbr.abs _section_cstart, $3  }
0xc6: {  	[dreg:$0x1] =	wrdreg $0xFFFFFFFF  }
0xc7: {  	_ =	task.clear_ibuf [dreg:s7], $0x2FFFF;
	_ =	strace $0x9FFFFFFF  }
0xc8: {  	(tm) =	ssettm $0x7FFFFFFF  }
0xc9: {  	_ =	shalt  }
tec
execute0_lowered:
.L_overlay_start_1:
0x0: {  	(tag) =	ssettag $0x1  }
0x1: {  	s0 =	rddreg [dreg:$0x0]  }
0x2: {  	s1 =	rddreg [dreg:$0x1]  }
0x3: {  	s2 =	srdreg.scid;
	s3 =	stileid.u32;
	s29 =	simm.s32 $0x2000  }
0x4: {  	s30 =	simm.s32 $0x2800;
	s31 =	simm.s32 $0x3000;
	s28 =	simm.s32 $0x4000  }
0x5: {  	s4 =	sand.u32 $0x1, s2;
	s2 =	simm.s32 $0x0;
	s3 =	sshll.u32 s3, $0x8  }
0x6: {  	s7 =	sadd.s32 $0x1C00, s0;
	s8 =	sadd.s32 $0x1E00, s0;
	s5 =	sshll.u32 s4, $0x7  }
0x7: {  	[smem:$0x7FF] =	sst s2;
	s4 =	ssub.s32 $0x2, s4;
	s3 =	sor.u32 s5, s3  }
0x8: {  	_ =	strace $0x8000004A;
	s5 =	sadd.s32 $0x1A00, s0;
	s6 =	sshrl.u32 s3, $0x3  }
0x9: {  	s22 =	sshll.u32 s3, $0x6;
	s10 =	sor.u32 $0x20, s3;
	s13 =	sor.u32 $0x40, s3  }
0xa: {  	s20 =	sor.u32 $0x60, s3;
	s3 =	sadd.s32 $0xA1E00, s0;
	s9 =	sadd.s32 s5, s6  }
0xb: {  	s6 =	sadd.s32 s7, s6;
	s23 =	sadd.s32 s1, s22;
	[dreg:$0x3] =	wrdreg s9  }
0xc: {  	s24 =	sadd.s32 s8, s22;
	s25 =	sshrl.u32 s10, $0x3;
	[dreg:$0x4] =	wrdreg s6  }
0xd: {  	s11 =	sshll.u32 s10, $0x6;
	s15 =	sshrl.u32 s13, $0x3;
	[dreg:$0x5] =	wrdreg s23  }
0xe: {  	s18 =	sshll.u32 s13, $0x6;
	[dreg:$0x6] =	wrdreg s24;
	s26 =	sadd.s32 s5, s25  }
0xf: {  	s22 =	sshrl.u32 s20, $0x3;
	s9 =	sadd.s32 s7, s25;
	[dreg:$0x7] =	wrdreg s26  }
0x10: {  	s10 =	simm.s32 $0x6000;
	s12 =	sadd.s32 s1, s11;
	[dreg:$0x8] =	wrdreg s9  }
0x11: {  	s13 =	simm.s32 $0x7800;
	s14 =	sadd.s32 s8, s11;
	[dreg:$0x9] =	wrdreg s12  }
0x12: {  	s16 =	sadd.s32 s5, s15;
	s17 =	sadd.s32 s7, s15;
	[dreg:$0xa] =	wrdreg s14  }
0x13: {  	s19 =	sadd.s32 s1, s18;
	s21 =	sadd.s32 s8, s18;
	[dreg:$0xb] =	wrdreg s16  }
0x14: {  	s5 =	sadd.s32 s5, s22;
	s23 =	sadd.s32 s7, s22;
	[dreg:$0xc] =	wrdreg s17  }
0x15: {  	s24 =	sshll.u32 s20, $0x6;
	s25 =	sshrl.u32 s4, $0x1;
	[dreg:$0xd] =	wrdreg s19  }
0x16: {  	s7 =	simm.s32 $0x3;
	s18 =	simm.s32 $0x2;
	[dreg:$0xe] =	wrdreg s21  }
0x17: {  	s22 =	simm.s32 $0x10080;
	s6 =	simm.s32 $0x5000;
	[dreg:$0xf] =	wrdreg s5  }
0x18: {  	s11 =	simm.s32 $0x6800;
	s15 =	simm.s32 $0x10180;
	[dreg:$0x10] =	wrdreg s23  }
0x19: {  	s1 =	sadd.s32 s1, s24;
	s26 =	sadd.s32 s8, s24;
	s5 =	ssub.s32 s4, s25  }
0x1a: {  	s4 =	sadd.s32 $0xA1F00, s0;
	s24 =	simm.s32 $0x1;
	s21 =	simm.s32 $0x10000  }
0x1b: {  	s23 =	simm.s32 $0x800;
	s25 =	simm.s32 $0x1000;
	s14 =	simm.s32 $0x3800  }
0x1c: {  	v2 =	vlaneseq.u32;
	s8 =	simm.s32 $0x5800;
	s12 =	simm.s32 $0x7000;
	s9 =	simm.s32 $0x8000  }
0x1d: {  	vm0 =	vmmov $0xffff;
	v1 =	vshrl.u32 v2, $0x3;
	s17 =	simm.s32 $0x8800;
	s16 =	simm.s32 $0x9000;
	[dreg:$0x11] =	wrdreg s1  }
0x1e: {  	v0 =	vand.u32 $0x7, v2;
	v2 =	vor.u32 $0x8, v2;
	v1 =	vmul.u32 $0x8, v1;
	[dreg:$0x12] =	wrdreg s26;
	s5 =	smax.u32 s5, $0x1;
	s26 =	simm.s32 $0x1800  }
.LBB2_1:
0x1f: {  	s19 =	rddreg [dreg:$0x3]  }
0x20: {  	[tilespmem:s21], [sflag:$0x3] =	stream.linear.gather [hbm4b:s19+s2], $0x20, $0x38;
	[tilespmem:$0x10200] =	vst v63  }
0x21: {  	_ =	swait.ge [sflag:s7], $0x20  }
0x22: {  	[sflag:s7] =	ssyncset.done $0x0  }
0x23: {  	s20 =	rddreg [dreg:$0x4];
	[sflag:s7] =	ssyncadd.s32 $0xFFFFFFE0  }
0x24: {  	[tilespmem:s22], [sflag:$0x3] =	stream.linear.gather [hbm4b:s20+s2], $0x20, $0x38;
	[tilespmem:$0x10200] =	vst v63  }
0x25: {  	_ =	swait.ge [sflag:s7], $0x20  }
0x26: {  	[sflag:s7] =	ssyncset.done $0x0  }
0x27: {  	[sflag:s7] =	ssyncadd.s32 $0xFFFFFFE0  }
0x28: {  	v3 =	vld [tilespmem:$0x10000];
	_ =	sdelay $0x4  }
0x29: {  	v4 =	vshll.u32 v3, $0x2  }
0x2a: {  	v3 =	vand.u32 $0x7, v3;
	v4 =	vand.u32 $0xFFFFFFE0, v4  }
0x2b: {  	v3 =	vor.u32 v3, v4  }
0x2c: {  	v4 =	vperm.xlane v3, v0;
	_ =	sdelay $0x1  }
0x2d: {  	v4 =	vadd.s32 v1, v4;
	_ =	sdelay $0x1  }
0x2e: {  	v3 =	vperm.xlane v3, v2;
	_ =	sdelay $0x1  }
0x2f: {  	v3 =	vadd.s32 v1, v3  }
0x30: {  	[tilespmem:s2], [sflag:$0x1] =	stream.indirect_vreg.gather [hbm4b:s3+s2], $0x80, v4, vm0, $0xb8;
	[tilespmem:$0x10200] =	vst v63  }
0x31: {  	_ = 	snop  }
0x32: {  	[tilespmem:s23], [sflag:$0x1] =	stream.indirect_vreg.gather [hbm4b:s4+s2], $0x80, v4, vm0, $0xb8;
	[tilespmem:$0x10200] =	vst v63  }
0x33: {  	_ = 	snop  }
0x34: {  	[tilespmem:s25], [sflag:$0x1] =	stream.indirect_vreg.gather [hbm4b:s3+s2], $0x80, v3, vm0, $0xb8;
	[tilespmem:$0x10200] =	vst v63  }
0x35: {  	_ = 	snop  }
0x36: {  	[tilespmem:s26], [sflag:$0x1] =	stream.indirect_vreg.gather [hbm4b:s4+s2], $0x80, v3, vm0, $0xb8;
	[tilespmem:$0x10200] =	vst v63  }
0x37: {  	v3 =	vld [tilespmem:$0x10010];
	_ =	sdelay $0x4  }
0x38: {  	v49 =	vshll.u32 v3, $0x2  }
0x39: {  	v3 =	vand.u32 $0x7, v3;
	v4 =	vand.u32 $0xFFFFFFE0, v49  }
0x3a: {  	v3 =	vor.u32 v3, v4  }
0x3b: {  	v4 =	vperm.xlane v3, v0;
	_ =	sdelay $0x1  }
0x3c: {  	v4 =	vadd.s32 v1, v4;
	_ =	sdelay $0x1  }
0x3d: {  	v3 =	vperm.xlane v3, v2;
	_ =	sdelay $0x1  }
0x3e: {  	v3 =	vadd.s32 v1, v3  }
0x3f: {  	[tilespmem:s29], [sflag:$0x1] =	stream.indirect_vreg.gather [hbm4b:s3+s2], $0x80, v4, vm0, $0xb8;
	[tilespmem:$0x10200] =	vst v63  }
0x40: {  	_ = 	snop  }
0x41: {  	[tilespmem:s30], [sflag:$0x1] =	stream.indirect_vreg.gather [hbm4b:s4+s2], $0x80, v4, vm0, $0xb8;
	[tilespmem:$0x10200] =	vst v63  }
0x42: {  	_ = 	snop  }
0x43: {  	[tilespmem:s31], [sflag:$0x1] =	stream.indirect_vreg.gather [hbm4b:s3+s2], $0x80, v3, vm0, $0xb8;
	[tilespmem:$0x10200] =	vst v63  }
0x44: {  	_ = 	snop  }
0x45: {  	[tilespmem:s14], [sflag:$0x1] =	stream.indirect_vreg.gather [hbm4b:s4+s2], $0x80, v3, vm0, $0xb8;
	[tilespmem:$0x10200] =	vst v63  }
0x46: {  	v3 =	vld [tilespmem:$0x10080];
	_ =	sdelay $0x4  }
0x47: {  	v50 =	vshll.u32 v3, $0x2  }
0x48: {  	v3 =	vand.u32 $0x7, v3;
	v4 =	vand.u32 $0xFFFFFFE0, v50  }
0x49: {  	v3 =	vor.u32 v3, v4  }
0x4a: {  	v4 =	vperm.xlane v3, v0;
	_ =	sdelay $0x1  }
0x4b: {  	v4 =	vadd.s32 v1, v4;
	_ =	sdelay $0x1  }
0x4c: {  	v3 =	vperm.xlane v3, v2;
	_ =	sdelay $0x1  }
0x4d: {  	v3 =	vadd.s32 v1, v3  }
0x4e: {  	[tilespmem:s28], [sflag:$0x1] =	stream.indirect_vreg.gather [hbm4b:s3+s2], $0x80, v4, vm0, $0xb8;
	[tilespmem:$0x10200] =	vst v63  }
0x4f: {  	s1 =	simm.s32 $0x4800  }
0x50: {  	[tilespmem:s1], [sflag:$0x1] =	stream.indirect_vreg.gather [hbm4b:s4+s2], $0x80, v4, vm0, $0xb8;
	[tilespmem:$0x10200] =	vst v63  }
0x51: {  	_ = 	snop  }
0x52: {  	[tilespmem:s6], [sflag:$0x1] =	stream.indirect_vreg.gather [hbm4b:s3+s2], $0x80, v3, vm0, $0xb8;
	[tilespmem:$0x10200] =	vst v63  }
0x53: {  	_ = 	snop  }
0x54: {  	[tilespmem:s8], [sflag:$0x1] =	stream.indirect_vreg.gather [hbm4b:s4+s2], $0x80, v3, vm0, $0xb8;
	[tilespmem:$0x10200] =	vst v63  }
0x55: {  	v3 =	vld [tilespmem:$0x10090];
	_ =	sdelay $0x4  }
0x56: {  	v51 =	vshll.u32 v3, $0x2  }
0x57: {  	v3 =	vand.u32 $0x7, v3;
	v4 =	vand.u32 $0xFFFFFFE0, v51  }
0x58: {  	v3 =	vor.u32 v3, v4  }
0x59: {  	v4 =	vperm.xlane v3, v0;
	_ =	sdelay $0x1  }
0x5a: {  	v4 =	vadd.s32 v1, v4;
	_ =	sdelay $0x1  }
0x5b: {  	v3 =	vperm.xlane v3, v2;
	_ =	sdelay $0x1  }
0x5c: {  	v3 =	vadd.s32 v1, v3  }
0x5d: {  	[tilespmem:s10], [sflag:$0x1] =	stream.indirect_vreg.gather [hbm4b:s3+s2], $0x80, v4, vm0, $0xb8;
	[tilespmem:$0x10200] =	vst v63  }
0x5e: {  	_ = 	snop  }
0x5f: {  	[tilespmem:s11], [sflag:$0x1] =	stream.indirect_vreg.gather [hbm4b:s4+s2], $0x80, v4, vm0, $0xb8;
	[tilespmem:$0x10200] =	vst v63  }
0x60: {  	_ = 	snop  }
0x61: {  	[tilespmem:s12], [sflag:$0x1] =	stream.indirect_vreg.gather [hbm4b:s3+s2], $0x80, v3, vm0, $0xb8;
	[tilespmem:$0x10200] =	vst v63  }
0x62: {  	_ = 	snop  }
0x63: {  	[tilespmem:s13], [sflag:$0x1] =	stream.indirect_vreg.gather [hbm4b:s4+s2], $0x80, v3, vm0, $0xb8;
	[tilespmem:$0x10200] =	vst v63  }
0x64: {  	_ =	swait.ge [sflag:s24], $0x4000  }
0x65: {  	[sflag:s24] =	ssyncset.done $0x0  }
0x66: {  	[sflag:s24] =	ssyncadd.s32 $0xFFFFC000  }
0x67: {  	_ =	swait.ge [sflag:s24], $0x4000  }
0x68: {  	[sflag:s24] =	ssyncset.done $0x0  }
0x69: {  	s0 =	rddreg [dreg:$0x5];
	[sflag:s24] =	ssyncadd.s32 $0xFFFFC000  }
0x6a: {  	[hbm4b:s0+s2] =	stream.linear.scatter [tilespmem:s2], [sflag:$0x2], $0x4000, $0x38;
	[tilespmem:$0x10200] =	vst v63  }
0x6b: {  	s20 =	rddreg [dreg:$0x6]  }
0x6c: {  	[hbm4b:s20+s2] =	stream.linear.scatter [tilespmem:s28], [sflag:$0x2], $0x4000, $0x38;
	[tilespmem:$0x10200] =	vst v63  }
0x6d: {  	s19 =	rddreg [dreg:$0x7];
	s0 =	simm.s32 $0x10100  }
0x6e: {  	[tilespmem:s0], [sflag:$0x3] =	stream.linear.gather [hbm4b:s19+s2], $0x20, $0x38;
	[tilespmem:$0x10200] =	vst v63  }
0x6f: {  	_ =	swait.ge [sflag:s7], $0x20  }
0x70: {  	[sflag:s7] =	ssyncset.done $0x0  }
0x71: {  	s0 =	rddreg [dreg:$0x8];
	[sflag:s7] =	ssyncadd.s32 $0xFFFFFFE0  }
0x72: {  	[tilespmem:s15], [sflag:$0x3] =	stream.linear.gather [hbm4b:s0+s2], $0x20, $0x38;
	[tilespmem:$0x10200] =	vst v63  }
0x73: {  	_ =	swait.ge [sflag:s7], $0x20  }
0x74: {  	[sflag:s7] =	ssyncset.done $0x0  }
0x75: {  	[sflag:s7] =	ssyncadd.s32 $0xFFFFFFE0  }
0x76: {  	v3 =	vld [tilespmem:$0x10100];
	_ =	sdelay $0x4  }
0x77: {  	v52 =	vshll.u32 v3, $0x2  }
0x78: {  	v3 =	vand.u32 $0x7, v3;
	v4 =	vand.u32 $0xFFFFFFE0, v52  }
0x79: {  	v3 =	vor.u32 v3, v4  }
0x7a: {  	v4 =	vperm.xlane v3, v0;
	_ =	sdelay $0x1  }
0x7b: {  	v4 =	vadd.s32 v1, v4;
	_ =	sdelay $0x1  }
0x7c: {  	v3 =	vperm.xlane v3, v2;
	_ =	sdelay $0x1  }
0x7d: {  	v3 =	vadd.s32 v1, v3  }
0x7e: {  	[tilespmem:s9], [sflag:$0x1] =	stream.indirect_vreg.gather [hbm4b:s3+s2], $0x80, v4, vm0, $0xb8;
	[tilespmem:$0x10200] =	vst v63  }
0x7f: {  	_ = 	snop  }
0x80: {  	[tilespmem:s17], [sflag:$0x1] =	stream.indirect_vreg.gather [hbm4b:s4+s2], $0x80, v4, vm0, $0xb8;
	[tilespmem:$0x10200] =	vst v63  }
0x81: {  	_ = 	snop  }
0x82: {  	[tilespmem:s16], [sflag:$0x1] =	stream.indirect_vreg.gather [hbm4b:s3+s2], $0x80, v3, vm0, $0xb8;
	[tilespmem:$0x10200] =	vst v63  }
0x83: {  	s19 =	simm.s32 $0x9800  }
0x84: {  	[tilespmem:s19], [sflag:$0x1] =	stream.indirect_vreg.gather [hbm4b:s4+s2], $0x80, v3, vm0, $0xb8;
	[tilespmem:$0x10200] =	vst v63  }
0x85: {  	v3 =	vld [tilespmem:$0x10110];
	_ =	sdelay $0x4  }
0x86: {  	v53 =	vshll.u32 v3, $0x2  }
0x87: {  	v3 =	vand.u32 $0x7, v3;
	v4 =	vand.u32 $0xFFFFFFE0, v53  }
0x88: {  	v3 =	vor.u32 v3, v4  }
0x89: {  	v4 =	vperm.xlane v3, v0;
	_ =	sdelay $0x1  }
0x8a: {  	v4 =	vadd.s32 v1, v4;
	_ =	sdelay $0x1  }
0x8b: {  	v3 =	vperm.xlane v3, v2;
	_ =	sdelay $0x1  }
0x8c: {  	s20 =	simm.s32 $0xA000;
	v3 =	vadd.s32 v1, v3  }
0x8d: {  	[tilespmem:s20], [sflag:$0x1] =	stream.indirect_vreg.gather [hbm4b:s3+s2], $0x80, v4, vm0, $0xb8;
	[tilespmem:$0x10200] =	vst v63  }
0x8e: {  	s19 =	simm.s32 $0xA800  }
0x8f: {  	[tilespmem:s19], [sflag:$0x1] =	stream.indirect_vreg.gather [hbm4b:s4+s2], $0x80, v4, vm0, $0xb8;
	[tilespmem:$0x10200] =	vst v63  }
0x90: {  	s20 =	simm.s32 $0xB000  }
0x91: {  	[tilespmem:s20], [sflag:$0x1] =	stream.indirect_vreg.gather [hbm4b:s3+s2], $0x80, v3, vm0, $0xb8;
	[tilespmem:$0x10200] =	vst v63  }
0x92: {  	s19 =	simm.s32 $0xB800  }
0x93: {  	[tilespmem:s19], [sflag:$0x1] =	stream.indirect_vreg.gather [hbm4b:s4+s2], $0x80, v3, vm0, $0xb8;
	[tilespmem:$0x10200] =	vst v63  }
0x94: {  	v3 =	vld [tilespmem:$0x10180];
	_ =	sdelay $0x4  }
0x95: {  	v54 =	vshll.u32 v3, $0x2  }
0x96: {  	v3 =	vand.u32 $0x7, v3;
	v4 =	vand.u32 $0xFFFFFFE0, v54  }
0x97: {  	v3 =	vor.u32 v3, v4  }
0x98: {  	v4 =	vperm.xlane v3, v0;
	_ =	sdelay $0x1  }
0x99: {  	v4 =	vadd.s32 v1, v4;
	_ =	sdelay $0x1  }
0x9a: {  	v3 =	vperm.xlane v3, v2;
	_ =	sdelay $0x1  }
0x9b: {  	s0 =	simm.s32 $0xC000;
	v3 =	vadd.s32 v1, v3  }
0x9c: {  	[tilespmem:s0], [sflag:$0x1] =	stream.indirect_vreg.gather [hbm4b:s3+s2], $0x80, v4, vm0, $0xb8;
	[tilespmem:$0x10200] =	vst v63  }
0x9d: {  	s20 =	simm.s32 $0xC800  }
0x9e: {  	[tilespmem:s20], [sflag:$0x1] =	stream.indirect_vreg.gather [hbm4b:s4+s2], $0x80, v4, vm0, $0xb8;
	[tilespmem:$0x10200] =	vst v63  }
0x9f: {  	s20 =	simm.s32 $0xD000  }
0xa0: {  	[tilespmem:s20], [sflag:$0x1] =	stream.indirect_vreg.gather [hbm4b:s3+s2], $0x80, v3, vm0, $0xb8;
	[tilespmem:$0x10200] =	vst v63  }
0xa1: {  	s20 =	simm.s32 $0xD800  }
0xa2: {  	[tilespmem:s20], [sflag:$0x1] =	stream.indirect_vreg.gather [hbm4b:s4+s2], $0x80, v3, vm0, $0xb8;
	[tilespmem:$0x10200] =	vst v63  }
0xa3: {  	v3 =	vld [tilespmem:$0x10190];
	_ =	sdelay $0x4  }
0xa4: {  	v55 =	vshll.u32 v3, $0x2  }
0xa5: {  	v3 =	vand.u32 $0x7, v3;
	v4 =	vand.u32 $0xFFFFFFE0, v55  }
0xa6: {  	v3 =	vor.u32 v3, v4  }
0xa7: {  	v4 =	vperm.xlane v3, v0;
	_ =	sdelay $0x1  }
0xa8: {  	v4 =	vadd.s32 v1, v4;
	_ =	sdelay $0x1  }
0xa9: {  	v3 =	vperm.xlane v3, v2;
	_ =	sdelay $0x1  }
0xaa: {  	s20 =	simm.s32 $0xE000;
	v3 =	vadd.s32 v1, v3  }
0xab: {  	[tilespmem:s20], [sflag:$0x1] =	stream.indirect_vreg.gather [hbm4b:s3+s2], $0x80, v4, vm0, $0xb8;
	[tilespmem:$0x10200] =	vst v63  }
0xac: {  	s20 =	simm.s32 $0xE800  }
0xad: {  	[tilespmem:s20], [sflag:$0x1] =	stream.indirect_vreg.gather [hbm4b:s4+s2], $0x80, v4, vm0, $0xb8;
	[tilespmem:$0x10200] =	vst v63  }
0xae: {  	s20 =	simm.s32 $0xF000  }
0xaf: {  	[tilespmem:s20], [sflag:$0x1] =	stream.indirect_vreg.gather [hbm4b:s3+s2], $0x80, v3, vm0, $0xb8;
	[tilespmem:$0x10200] =	vst v63  }
0xb0: {  	s20 =	simm.s32 $0xF800  }
0xb1: {  	[tilespmem:s20], [sflag:$0x1] =	stream.indirect_vreg.gather [hbm4b:s4+s2], $0x80, v3, vm0, $0xb8;
	[tilespmem:$0x10200] =	vst v63  }
0xb2: {  	_ =	swait.ge [sflag:s24], $0x4000  }
0xb3: {  	[sflag:s24] =	ssyncset.done $0x0  }
0xb4: {  	[sflag:s24] =	ssyncadd.s32 $0xFFFFC000  }
0xb5: {  	_ =	swait.ge [sflag:s24], $0x4000  }
0xb6: {  	[sflag:s24] =	ssyncset.done $0x0  }
0xb7: {  	s19 =	rddreg [dreg:$0x9];
	[sflag:s24] =	ssyncadd.s32 $0xFFFFC000  }
0xb8: {  	[hbm4b:s19+s2] =	stream.linear.scatter [tilespmem:s9], [sflag:$0x2], $0x4000, $0x38;
	[tilespmem:$0x10200] =	vst v63  }
0xb9: {  	s20 =	rddreg [dreg:$0xa]  }
0xba: {  	[hbm4b:s20+s2] =	stream.linear.scatter [tilespmem:s0], [sflag:$0x2], $0x4000, $0x38;
	[tilespmem:$0x10200] =	vst v63  }
0xbb: {  	_ =	swait.ge [sflag:s18], $0x4000  }
0xbc: {  	[sflag:s18] =	ssyncset.done $0x0  }
0xbd: {  	[sflag:s18] =	ssyncadd.s32 $0xFFFFC000  }
0xbe: {  	_ =	swait.ge [sflag:s18], $0x4000  }
0xbf: {  	[sflag:s18] =	ssyncset.done $0x0  }
0xc0: {  	s20 =	rddreg [dreg:$0xb];
	[sflag:s18] =	ssyncadd.s32 $0xFFFFC000  }
0xc1: {  	[tilespmem:s21], [sflag:$0x3] =	stream.linear.gather [hbm4b:s20+s2], $0x20, $0x38;
	[tilespmem:$0x10200] =	vst v63  }
0xc2: {  	_ =	swait.ge [sflag:s7], $0x20  }
0xc3: {  	[sflag:s7] =	ssyncset.done $0x0  }
0xc4: {  	s20 =	rddreg [dreg:$0xc];
	[sflag:s7] =	ssyncadd.s32 $0xFFFFFFE0  }
0xc5: {  	[tilespmem:s22], [sflag:$0x3] =	stream.linear.gather [hbm4b:s20+s2], $0x20, $0x38;
	[tilespmem:$0x10200] =	vst v63  }
0xc6: {  	_ =	swait.ge [sflag:s7], $0x20  }
0xc7: {  	[sflag:s7] =	ssyncset.done $0x0  }
0xc8: {  	[sflag:s7] =	ssyncadd.s32 $0xFFFFFFE0  }
0xc9: {  	v3 =	vld [tilespmem:$0x10000];
	_ =	sdelay $0x4  }
0xca: {  	v56 =	vshll.u32 v3, $0x2  }
0xcb: {  	v3 =	vand.u32 $0x7, v3;
	v4 =	vand.u32 $0xFFFFFFE0, v56  }
0xcc: {  	v3 =	vor.u32 v3, v4  }
0xcd: {  	v4 =	vperm.xlane v3, v0;
	_ =	sdelay $0x1  }
0xce: {  	v4 =	vadd.s32 v1, v4;
	_ =	sdelay $0x1  }
0xcf: {  	v3 =	vperm.xlane v3, v2;
	_ =	sdelay $0x1  }
0xd0: {  	v3 =	vadd.s32 v1, v3  }
0xd1: {  	[tilespmem:s2], [sflag:$0x1] =	stream.indirect_vreg.gather [hbm4b:s3+s2], $0x80, v4, vm0, $0xb8;
	[tilespmem:$0x10200] =	vst v63  }
0xd2: {  	_ = 	snop  }
0xd3: {  	[tilespmem:s23], [sflag:$0x1] =	stream.indirect_vreg.gather [hbm4b:s4+s2], $0x80, v4, vm0, $0xb8;
	[tilespmem:$0x10200] =	vst v63  }
0xd4: {  	_ = 	snop  }
0xd5: {  	[tilespmem:s25], [sflag:$0x1] =	stream.indirect_vreg.gather [hbm4b:s3+s2], $0x80, v3, vm0, $0xb8;
	[tilespmem:$0x10200] =	vst v63  }
0xd6: {  	_ = 	snop  }
0xd7: {  	[tilespmem:s26], [sflag:$0x1] =	stream.indirect_vreg.gather [hbm4b:s4+s2], $0x80, v3, vm0, $0xb8;
	[tilespmem:$0x10200] =	vst v63  }
0xd8: {  	v3 =	vld [tilespmem:$0x10010];
	_ =	sdelay $0x4  }
0xd9: {  	v57 =	vshll.u32 v3, $0x2  }
0xda: {  	v3 =	vand.u32 $0x7, v3;
	v4 =	vand.u32 $0xFFFFFFE0, v57  }
0xdb: {  	v3 =	vor.u32 v3, v4  }
0xdc: {  	v4 =	vperm.xlane v3, v0;
	_ =	sdelay $0x1  }
0xdd: {  	v4 =	vadd.s32 v1, v4;
	_ =	sdelay $0x1  }
0xde: {  	v3 =	vperm.xlane v3, v2;
	_ =	sdelay $0x1  }
0xdf: {  	v3 =	vadd.s32 v1, v3  }
0xe0: {  	[tilespmem:s29], [sflag:$0x1] =	stream.indirect_vreg.gather [hbm4b:s3+s2], $0x80, v4, vm0, $0xb8;
	[tilespmem:$0x10200] =	vst v63  }
0xe1: {  	_ = 	snop  }
0xe2: {  	[tilespmem:s30], [sflag:$0x1] =	stream.indirect_vreg.gather [hbm4b:s4+s2], $0x80, v4, vm0, $0xb8;
	[tilespmem:$0x10200] =	vst v63  }
0xe3: {  	_ = 	snop  }
0xe4: {  	[tilespmem:s31], [sflag:$0x1] =	stream.indirect_vreg.gather [hbm4b:s3+s2], $0x80, v3, vm0, $0xb8;
	[tilespmem:$0x10200] =	vst v63  }
0xe5: {  	_ = 	snop  }
0xe6: {  	[tilespmem:s14], [sflag:$0x1] =	stream.indirect_vreg.gather [hbm4b:s4+s2], $0x80, v3, vm0, $0xb8;
	[tilespmem:$0x10200] =	vst v63  }
0xe7: {  	v3 =	vld [tilespmem:$0x10080];
	_ =	sdelay $0x4  }
0xe8: {  	v58 =	vshll.u32 v3, $0x2  }
0xe9: {  	v3 =	vand.u32 $0x7, v3;
	v4 =	vand.u32 $0xFFFFFFE0, v58  }
0xea: {  	v3 =	vor.u32 v3, v4  }
0xeb: {  	v4 =	vperm.xlane v3, v0;
	_ =	sdelay $0x1  }
0xec: {  	v4 =	vadd.s32 v1, v4;
	_ =	sdelay $0x1  }
0xed: {  	v3 =	vperm.xlane v3, v2;
	_ =	sdelay $0x1  }
0xee: {  	v3 =	vadd.s32 v1, v3  }
0xef: {  	[tilespmem:s28], [sflag:$0x1] =	stream.indirect_vreg.gather [hbm4b:s3+s2], $0x80, v4, vm0, $0xb8;
	[tilespmem:$0x10200] =	vst v63  }
0xf0: {  	_ = 	snop  }
0xf1: {  	[tilespmem:s1], [sflag:$0x1] =	stream.indirect_vreg.gather [hbm4b:s4+s2], $0x80, v4, vm0, $0xb8;
	[tilespmem:$0x10200] =	vst v63  }
0xf2: {  	_ = 	snop  }
0xf3: {  	[tilespmem:s6], [sflag:$0x1] =	stream.indirect_vreg.gather [hbm4b:s3+s2], $0x80, v3, vm0, $0xb8;
	[tilespmem:$0x10200] =	vst v63  }
0xf4: {  	_ = 	snop  }
0xf5: {  	[tilespmem:s8], [sflag:$0x1] =	stream.indirect_vreg.gather [hbm4b:s4+s2], $0x80, v3, vm0, $0xb8;
	[tilespmem:$0x10200] =	vst v63  }
0xf6: {  	v3 =	vld [tilespmem:$0x10090];
	_ =	sdelay $0x4  }
0xf7: {  	v59 =	vshll.u32 v3, $0x2  }
0xf8: {  	v3 =	vand.u32 $0x7, v3;
	v4 =	vand.u32 $0xFFFFFFE0, v59  }
0xf9: {  	v3 =	vor.u32 v3, v4  }
0xfa: {  	v4 =	vperm.xlane v3, v0;
	_ =	sdelay $0x1  }
0xfb: {  	v4 =	vadd.s32 v1, v4;
	_ =	sdelay $0x1  }
0xfc: {  	v3 =	vperm.xlane v3, v2;
	_ =	sdelay $0x1  }
0xfd: {  	v3 =	vadd.s32 v1, v3  }
0xfe: {  	[tilespmem:s10], [sflag:$0x1] =	stream.indirect_vreg.gather [hbm4b:s3+s2], $0x80, v4, vm0, $0xb8;
	[tilespmem:$0x10200] =	vst v63  }
0xff: {  	_ = 	snop  }
0x100: {  	[tilespmem:s11], [sflag:$0x1] =	stream.indirect_vreg.gather [hbm4b:s4+s2], $0x80, v4, vm0, $0xb8;
	[tilespmem:$0x10200] =	vst v63  }
0x101: {  	_ = 	snop  }
0x102: {  	[tilespmem:s12], [sflag:$0x1] =	stream.indirect_vreg.gather [hbm4b:s3+s2], $0x80, v3, vm0, $0xb8;
	[tilespmem:$0x10200] =	vst v63  }
0x103: {  	_ = 	snop  }
0x104: {  	[tilespmem:s13], [sflag:$0x1] =	stream.indirect_vreg.gather [hbm4b:s4+s2], $0x80, v3, vm0, $0xb8;
	[tilespmem:$0x10200] =	vst v63  }
0x105: {  	_ =	swait.ge [sflag:s24], $0x4000  }
0x106: {  	[sflag:s24] =	ssyncset.done $0x0  }
0x107: {  	[sflag:s24] =	ssyncadd.s32 $0xFFFFC000  }
0x108: {  	_ =	swait.ge [sflag:s24], $0x4000  }
0x109: {  	[sflag:s24] =	ssyncset.done $0x0  }
0x10a: {  	s20 =	rddreg [dreg:$0xd];
	[sflag:s24] =	ssyncadd.s32 $0xFFFFC000  }
0x10b: {  	[hbm4b:s20+s2] =	stream.linear.scatter [tilespmem:s2], [sflag:$0x2], $0x4000, $0x38;
	[tilespmem:$0x10200] =	vst v63  }
0x10c: {  	s1 =	rddreg [dreg:$0xe]  }
0x10d: {  	[hbm4b:s1+s2] =	stream.linear.scatter [tilespmem:s28], [sflag:$0x2], $0x4000, $0x38;
	[tilespmem:$0x10200] =	vst v63  }
0x10e: {  	_ =	swait.ge [sflag:s18], $0x4000  }
0x10f: {  	[sflag:s18] =	ssyncset.done $0x0  }
0x110: {  	[sflag:s18] =	ssyncadd.s32 $0xFFFFC000  }
0x111: {  	_ =	swait.ge [sflag:s18], $0x4000  }
0x112: {  	[sflag:s18] =	ssyncset.done $0x0  }
0x113: {  	s20 =	simm.s32 $0x10100;
	s1 =	rddreg [dreg:$0xf];
	[sflag:s18] =	ssyncadd.s32 $0xFFFFC000  }
0x114: {  	[tilespmem:s20], [sflag:$0x3] =	stream.linear.gather [hbm4b:s1+s2], $0x20, $0x38;
	[tilespmem:$0x10200] =	vst v63  }
0x115: {  	_ =	swait.ge [sflag:s7], $0x20  }
0x116: {  	[sflag:s7] =	ssyncset.done $0x0  }
0x117: {  	s1 =	rddreg [dreg:$0x10];
	[sflag:s7] =	ssyncadd.s32 $0xFFFFFFE0  }
0x118: {  	[tilespmem:s15], [sflag:$0x3] =	stream.linear.gather [hbm4b:s1+s2], $0x20, $0x38;
	[tilespmem:$0x10200] =	vst v63  }
0x119: {  	_ =	swait.ge [sflag:s7], $0x20  }
0x11a: {  	[sflag:s7] =	ssyncset.done $0x0  }
0x11b: {  	[sflag:s7] =	ssyncadd.s32 $0xFFFFFFE0  }
0x11c: {  	v3 =	vld [tilespmem:$0x10100];
	_ =	sdelay $0x4  }
0x11d: {  	v60 =	vshll.u32 v3, $0x2  }
0x11e: {  	v3 =	vand.u32 $0x7, v3;
	v4 =	vand.u32 $0xFFFFFFE0, v60  }
0x11f: {  	v3 =	vor.u32 v3, v4  }
0x120: {  	v4 =	vperm.xlane v3, v0;
	_ =	sdelay $0x1  }
0x121: {  	v4 =	vadd.s32 v1, v4;
	_ =	sdelay $0x1  }
0x122: {  	v3 =	vperm.xlane v3, v2;
	_ =	sdelay $0x1  }
0x123: {  	v3 =	vadd.s32 v1, v3  }
0x124: {  	[tilespmem:s9], [sflag:$0x1] =	stream.indirect_vreg.gather [hbm4b:s3+s2], $0x80, v4, vm0, $0xb8;
	[tilespmem:$0x10200] =	vst v63  }
0x125: {  	_ = 	snop  }
0x126: {  	[tilespmem:s17], [sflag:$0x1] =	stream.indirect_vreg.gather [hbm4b:s4+s2], $0x80, v4, vm0, $0xb8;
	[tilespmem:$0x10200] =	vst v63  }
0x127: {  	_ = 	snop  }
0x128: {  	[tilespmem:s16], [sflag:$0x1] =	stream.indirect_vreg.gather [hbm4b:s3+s2], $0x80, v3, vm0, $0xb8;
	[tilespmem:$0x10200] =	vst v63  }
0x129: {  	s20 =	simm.s32 $0x9800  }
0x12a: {  	[tilespmem:s20], [sflag:$0x1] =	stream.indirect_vreg.gather [hbm4b:s4+s2], $0x80, v3, vm0, $0xb8;
	[tilespmem:$0x10200] =	vst v63  }
0x12b: {  	v3 =	vld [tilespmem:$0x10110];
	_ =	sdelay $0x4  }
0x12c: {  	v61 =	vshll.u32 v3, $0x2  }
0x12d: {  	v3 =	vand.u32 $0x7, v3;
	v4 =	vand.u32 $0xFFFFFFE0, v61  }
0x12e: {  	v3 =	vor.u32 v3, v4  }
0x12f: {  	v4 =	vperm.xlane v3, v0;
	_ =	sdelay $0x1  }
0x130: {  	v4 =	vadd.s32 v1, v4;
	_ =	sdelay $0x1  }
0x131: {  	v3 =	vperm.xlane v3, v2;
	_ =	sdelay $0x1  }
0x132: {  	s19 =	simm.s32 $0xA000;
	v3 =	vadd.s32 v1, v3  }
0x133: {  	[tilespmem:s19], [sflag:$0x1] =	stream.indirect_vreg.gather [hbm4b:s3+s2], $0x80, v4, vm0, $0xb8;
	[tilespmem:$0x10200] =	vst v63  }
0x134: {  	s20 =	simm.s32 $0xA800  }
0x135: {  	[tilespmem:s20], [sflag:$0x1] =	stream.indirect_vreg.gather [hbm4b:s4+s2], $0x80, v4, vm0, $0xb8;
	[tilespmem:$0x10200] =	vst v63  }
0x136: {  	s19 =	simm.s32 $0xB000  }
0x137: {  	[tilespmem:s19], [sflag:$0x1] =	stream.indirect_vreg.gather [hbm4b:s3+s2], $0x80, v3, vm0, $0xb8;
	[tilespmem:$0x10200] =	vst v63  }
0x138: {  	s20 =	simm.s32 $0xB800  }
0x139: {  	[tilespmem:s20], [sflag:$0x1] =	stream.indirect_vreg.gather [hbm4b:s4+s2], $0x80, v3, vm0, $0xb8;
	[tilespmem:$0x10200] =	vst v63  }
0x13a: {  	v3 =	vld [tilespmem:$0x10180];
	_ =	sdelay $0x4  }
0x13b: {  	v62 =	vshll.u32 v3, $0x2  }
0x13c: {  	v3 =	vand.u32 $0x7, v3;
	v4 =	vand.u32 $0xFFFFFFE0, v62  }
0x13d: {  	v3 =	vor.u32 v3, v4  }
0x13e: {  	v4 =	vperm.xlane v3, v0;
	_ =	sdelay $0x1  }
0x13f: {  	v4 =	vadd.s32 v1, v4;
	_ =	sdelay $0x1  }
0x140: {  	v3 =	vperm.xlane v3, v2;
	_ =	sdelay $0x1  }
0x141: {  	v3 =	vadd.s32 v1, v3  }
0x142: {  	[tilespmem:s0], [sflag:$0x1] =	stream.indirect_vreg.gather [hbm4b:s3+s2], $0x80, v4, vm0, $0xb8;
	[tilespmem:$0x10200] =	vst v63  }
0x143: {  	s19 =	simm.s32 $0xC800  }
0x144: {  	[tilespmem:s19], [sflag:$0x1] =	stream.indirect_vreg.gather [hbm4b:s4+s2], $0x80, v4, vm0, $0xb8;
	[tilespmem:$0x10200] =	vst v63  }
0x145: {  	s20 =	simm.s32 $0xD000  }
0x146: {  	[tilespmem:s20], [sflag:$0x1] =	stream.indirect_vreg.gather [hbm4b:s3+s2], $0x80, v3, vm0, $0xb8;
	[tilespmem:$0x10200] =	vst v63  }
0x147: {  	s19 =	simm.s32 $0xD800  }
0x148: {  	[tilespmem:s19], [sflag:$0x1] =	stream.indirect_vreg.gather [hbm4b:s4+s2], $0x80, v3, vm0, $0xb8;
	[tilespmem:$0x10200] =	vst v63  }
0x149: {  	v3 =	vld [tilespmem:$0x10190];
	_ =	sdelay $0x4  }
0x14a: {  	v63 =	vshll.u32 v3, $0x2  }
0x14b: {  	v3 =	vand.u32 $0x7, v3;
	v4 =	vand.u32 $0xFFFFFFE0, v63  }
0x14c: {  	v3 =	vor.u32 v3, v4  }
0x14d: {  	v4 =	vperm.xlane v3, v0;
	_ =	sdelay $0x1  }
0x14e: {  	v4 =	vadd.s32 v1, v4;
	_ =	sdelay $0x1  }
0x14f: {  	v3 =	vperm.xlane v3, v2;
	_ =	sdelay $0x1  }
0x150: {  	s20 =	simm.s32 $0xE000;
	v3 =	vadd.s32 v1, v3  }
0x151: {  	[tilespmem:s20], [sflag:$0x1] =	stream.indirect_vreg.gather [hbm4b:s3+s2], $0x80, v4, vm0, $0xb8;
	[tilespmem:$0x10200] =	vst v63  }
0x152: {  	s19 =	simm.s32 $0xE800  }
0x153: {  	[tilespmem:s19], [sflag:$0x1] =	stream.indirect_vreg.gather [hbm4b:s4+s2], $0x80, v4, vm0, $0xb8;
	[tilespmem:$0x10200] =	vst v63  }
0x154: {  	s20 =	simm.s32 $0xF000  }
0x155: {  	[tilespmem:s20], [sflag:$0x1] =	stream.indirect_vreg.gather [hbm4b:s3+s2], $0x80, v3, vm0, $0xb8;
	[tilespmem:$0x10200] =	vst v63  }
0x156: {  	s19 =	simm.s32 $0xF800  }
0x157: {  	[tilespmem:s19], [sflag:$0x1] =	stream.indirect_vreg.gather [hbm4b:s4+s2], $0x80, v3, vm0, $0xb8;
	[tilespmem:$0x10200] =	vst v63  }
0x158: {  	_ =	swait.ge [sflag:s24], $0x4000  }
0x159: {  	[sflag:s24] =	ssyncset.done $0x0  }
0x15a: {  	[sflag:s24] =	ssyncadd.s32 $0xFFFFC000  }
0x15b: {  	_ =	swait.ge [sflag:s24], $0x4000  }
0x15c: {  	[sflag:s24] =	ssyncset.done $0x0  }
0x15d: {  	s20 =	rddreg [dreg:$0x11];
	[sflag:s24] =	ssyncadd.s32 $0xFFFFC000  }
0x15e: {  	[hbm4b:s20+s2] =	stream.linear.scatter [tilespmem:s9], [sflag:$0x2], $0x4000, $0x38;
	[tilespmem:$0x10200] =	vst v63  }
0x15f: {  	s1 =	rddreg [dreg:$0x12]  }
0x160: {  	[hbm4b:s1+s2] =	stream.linear.scatter [tilespmem:s0], [sflag:$0x2], $0x4000, $0x38;
	[tilespmem:$0x10200] =	vst v63  }
0x161: {  	_ =	swait.ge [sflag:s18], $0x4000  }
0x162: {  	[sflag:s18] =	ssyncset.done $0x0  }
0x163: {  	[sflag:s18] =	ssyncadd.s32 $0xFFFFC000  }
0x164: {  	_ =	swait.ge [sflag:s18], $0x4000  }
0x165: {  	[sflag:s18] =	ssyncset.done $0x0  }
0x166: {  	[sflag:s18] =	ssyncadd.s32 $0xFFFFC000  }
0x167: {  	p0 =	sne.s32 s5, $0x1;
	_ =	swait.ge [sflag:s18], $0x4000  }
.Ltmp0:
0x168: {  	[sflag:s18] =	ssyncset.done $0x0;
	(pc) =	sbr.rel @p0 .LBB2_1-.Ltmp0, $4  }
0x169: {  	[sflag:s18] =	ssyncadd.s32 $0xFFFFC000  }
0x16a: {  	_ =	swait.ge [sflag:s18], $0x4000  }
0x16b: {  	[sflag:s18] =	ssyncset.done $0x0  }
0x16c: {  	s5 =	sadd.s32 $0xFFFFFFFF, s5;
	[sflag:s18] =	ssyncadd.s32 $0xFFFFC000  }
0x16d: {  	_ =	sfence.sel $0x180000  }
0x16e: {  	[bflag:$0x0] =	sbarrier.arrive $0xFFFF  }
0x16f: {  	_ =	strace $0x9000004A  }
0x170: {  	s0 =	stileid.u32;
	[bflag:$0x2] =	sbarrier.arrive $0xFFFF  }
0x171: {  	p0 =	sne.s32 s0, $0x0;
	s0 =	rddreg [dreg:$0x2]  }
0x172: {  	s0 =	sadd.s32 @!p0 $0x100000, s0  }
0x173: {  	[sflag:s0] =	ssyncadd.tile.s32 @!p0 $0x1;
	_ =	shalt  }
.Lfunc_end2:
_tile_overlayer_lowered:
.L_overlay_start_2:
0x174: {  	(tag) =	ssettag $0x2  }
0x175: {  	s0 =	rddreg [dreg:$0x0];
	s2 =	stileid.u32  }
0x176: {  	s1 =	rddreg [dreg:$0x1];
	p0 =	sne.s32 s2, $0x0  }
0x177: {  	s3 =	rddreg [dreg:$0x2];
	[bflag:$0x3] =	sbarrier.arrive $0xFFFF;
	s2 =	simm.s32 @!p0 $0x1C03  }
0x178: {  	[timem:s3], [sflag:s2] =	dma.local @!p0 [hbm:s0], s1  }
0x179: {  	s0 =	simm.s32 @!p0 $0x3  }
0x17a: {  	_ =	swait.ge @!p0 [sflag:s0], s1  }
0x17b: {  	s1 =	ssub.s32 @!p0 $0x0, s1;
	[sflag:s0] =	ssyncset.done @!p0 $0x0  }
0x17c: {  	[sflag:s0] =	ssyncadd.s32 @!p0 s1  }
0x17d: {  	[bflag:$0x3] =	sbarrier.arrive $0xFFFF  }
0x17e: {  	_ =	shalt  }

// kernel: kernel.7.cloned.1.call-start
scs
__scs_entry_jumppad:
0x0: {  	(pc) =	sbr.rel $0x88, $3  }
0x1: {  	(tag) =	ssettag $0x0;
	lr =	simm.s32 $0x1  }
0x2: {  	[smem:$0x3F9B] =	sst lr;
	_ =	strace $0xD0000000  }
0x3: {  	_ = 	snop  }
0x4: {  	_ = 	snop  }
0x5: {  	_ = 	snop  }
0x6: {  	_ = 	snop  }
0x7: {  	_ = 	snop  }
__scs_overlays_trampoline_lowered:
0x8: {  	[smem:$0x3FAA] =	sst s0  }
0x9: {  	[smem:$0x3FAB] =	sst s1  }
0xa: {  	[smem:$0x3FAC] =	sst s2  }
0xb: {  	[smem:$0x3FAD] =	sst s3  }
0xc: {  	[smem:$0x3FAE] =	sst s4  }
0xd: {  	[smem:$0x3FAF] =	sst s5  }
0xe: {  	[smem:$0x3FB0] =	sst s6  }
0xf: {  	[smem:$0x3FB1] =	sst s7  }
0x10: {  	[smem:$0x3FB2] =	sst s8  }
0x11: {  	[smem:$0x3FB3] =	sst s9;
	s0 =	simm.s32 @!p0 $0x0  }
0x12: {  	s1 =	sld [smem:$0x3F99];
	s0 =	simm.s32 @p0 $0x1  }
0x13: {  	[smem:$0x3FB4] =	sst s0;
	s0 =	simm.s32 @!p1 $0x0  }
0x14: {  	s2 =	sld [smem:$0x3F98];
	s0 =	simm.s32 @p1 $0x1  }
0x15: {  	[smem:$0x3FB5] =	sst s0;
	s0 =	simm.s32 @!p2 $0x0  }
0x16: {  	s3 =	sld [smem:$0x3FDB];
	s0 =	simm.s32 @p2 $0x1  }
0x17: {  	s4 =	simm.s32 $0x1BF5;
	[smem:$0x3FB7] =	sst s0  }
0x18: {  	s0 =	sld [smem:$0x3F9A];
	_ =	swait.ge [sflag:s4], $0x0  }
0x19: {  	s7 =	sld [smem:$0x3F9B]  }
0x1a: {  	s8 =	sadd.s32 $0xFFFFE003, lr  }
0x1b: {  	s9 =	sadd.s32 $0xFFFFFEF7, lr;
	s5 =	simm.s32 $0xFFFFFFFF;
	p2 =	slt.u32 s8, $0xFFFFF086  }
0x1c: {  	p1 =	slt.u32 s9, $0xF7A;
	s5 =	simm.s32 @!p2 $0x0  }
0x1d: {  	s5 =	simm.s32 @p1 $0x1;
	p0 =	seq.s32 s7, s2  }
0x1e: {  	s7 =	smul.u32 @!p0 $0xF7A, s2;
	p2 =	seq.s32 @!p0 s5, $0x0  }
0x1f: {  	s9 =	smul.u32 $0xF7A, s1;
	s8 =	simm.s32 @!p0 $0x1BF5;
	p2 =	por !p2, p0  }
0x20: {  	[sflag:s8] =	ssyncset.s32 @!p0 $0xFFFFF086;
	s6 =	sadd.s32 @!p0 s3, s7;
	s7 =	simm.s32 @!p0 $0x108  }
0x21: {  	s3 =	sadd.s32 s3, s9;
	s6 =	sadd.s32 @!p0 $0x88, s6;
	s7 =	simm.s32 @p2 $0x1082  }
0x22: {  	[simem:s7], [sflag:s8] =	dma.local @!p0 [hbm:s6], $0xF7A  }
0x23: {  	s9 =	sor.u32 $0xD0000000, s2;
	s6 =	simm.s32 $0x108;
	_ =	swait.ge @!p0 [sflag:s8], $0x0  }
0x24: {  	s3 =	sadd.s32 $0x88, s3;
	s6 =	simm.s32 @!p1 $0x1082;
	[sflag:s4] =	ssyncset.s32 $0xFFFFF086  }
0x25: {  	[simem:s6], [sflag:s4] =	dma.local [hbm:s3], $0xF7A  }
0x26: {  	[smem:$0x3F9B] =	sst s1;
	(tag) =	ssettag s2;
	_ =	strace s9  }
0x27: {  	s1 =	sld [smem:$0x3FAB]  }
0x28: {  	s2 =	sld [smem:$0x3FAC]  }
0x29: {  	s4 =	sld [smem:$0x3FAE]  }
0x2a: {  	p0 =	seq.s32 s5, $0x0;
	s5 =	sld [smem:$0x3FAF]  }
0x2b: {  	s6 =	sld [smem:$0x3FB0]  }
0x2c: {  	s7 =	sld [smem:$0x3FB1]  }
0x2d: {  	s3 =	simm.s32 $0x108;
	s8 =	sld [smem:$0x3FB2]  }
0x2e: {  	s3 =	simm.s32 @!p0 $0x1082;
	s9 =	sld [smem:$0x3FB3]  }
0x2f: {  	lr =	sadd.s32 s0, s3;
	s0 =	sld [smem:$0x3FAA]  }
0x30: {  	s3 =	sld [smem:$0x3FAD]  }
0x31: {  	[smem:$0x3FB6] =	sst s10  }
0x32: {  	s10 =	sld [smem:$0x3FB4];
	_ =	sdelay $0x3  }
0x33: {  	p0 =	seq.s32 s10, $0x1;
	s10 =	sld [smem:$0x3FB6];
	_ =	sdelay $0x3  }
0x34: {  	[smem:$0x3FB6] =	sst s10  }
0x35: {  	s10 =	sld [smem:$0x3FB5];
	_ =	sdelay $0x3  }
0x36: {  	p1 =	seq.s32 s10, $0x1;
	s10 =	sld [smem:$0x3FB6];
	_ =	sdelay $0x3  }
0x37: {  	[smem:$0x3FB6] =	sst s10  }
0x38: {  	s10 =	sld [smem:$0x3FB7]  }
0x39: {  	_ = 	snop;
	(pc) =	sbr.ind lr, $3  }
0x3a: {  	_ = 	snop  }
0x3b: {  	_ = 	snop  }
0x3c: {  	p2 =	seq.s32 s10, $0x1;
	s10 =	sld [smem:$0x3FB6]  }
0x3d: {  	_ =	shalt  }
0x3e: {  	_ =	shalt  }
0x3f: {  	_ =	shalt  }
0x40: {  	_ =	shalt  }
0x41: {  	_ =	shalt  }
0x42: {  	_ =	shalt  }
0x43: {  	_ =	shalt  }
0x44: {  	_ =	shalt  }
0x45: {  	_ =	shalt  }
0x46: {  	_ =	shalt  }
0x47: {  	_ =	shalt  }
0x48: {  	_ =	shalt  }
0x49: {  	_ =	shalt  }
0x4a: {  	_ =	shalt  }
0x4b: {  	_ =	shalt  }
0x4c: {  	_ =	shalt  }
0x4d: {  	_ =	shalt  }
0x4e: {  	_ =	shalt  }
0x4f: {  	_ =	shalt  }
0x50: {  	_ =	shalt  }
0x51: {  	_ =	shalt  }
0x52: {  	_ =	shalt  }
0x53: {  	_ =	shalt  }
0x54: {  	_ =	shalt  }
0x55: {  	_ =	shalt  }
0x56: {  	_ =	shalt  }
0x57: {  	_ =	shalt  }
0x58: {  	_ =	shalt  }
0x59: {  	_ =	shalt  }
0x5a: {  	_ =	shalt  }
0x5b: {  	_ =	shalt  }
0x5c: {  	_ =	shalt  }
0x5d: {  	_ =	shalt  }
0x5e: {  	_ =	shalt  }
0x5f: {  	_ =	shalt  }
0x60: {  	_ =	shalt  }
0x61: {  	_ =	shalt  }
0x62: {  	_ =	shalt  }
0x63: {  	_ =	shalt  }
0x64: {  	_ =	shalt  }
0x65: {  	_ =	shalt  }
0x66: {  	_ =	shalt  }
0x67: {  	_ =	shalt  }
0x68: {  	_ =	shalt  }
0x69: {  	_ =	shalt  }
0x6a: {  	_ =	shalt  }
0x6b: {  	_ =	shalt  }
0x6c: {  	_ =	shalt  }
0x6d: {  	_ =	shalt  }
0x6e: {  	_ =	shalt  }
0x6f: {  	_ =	shalt  }
0x70: {  	_ =	shalt  }
0x71: {  	_ =	shalt  }
0x72: {  	_ =	shalt  }
0x73: {  	_ =	shalt  }
0x74: {  	_ =	shalt  }
0x75: {  	_ =	shalt  }
0x76: {  	_ =	shalt  }
0x77: {  	_ =	shalt  }
0x78: {  	_ =	shalt  }
0x79: {  	_ =	shalt  }
0x7a: {  	_ =	shalt  }
0x7b: {  	_ =	shalt  }
0x7c: {  	_ =	shalt  }
0x7d: {  	_ =	shalt  }
0x7e: {  	_ =	shalt  }
0x7f: {  	_ =	shalt  }
0x80: {  	_ =	shalt  }
0x81: {  	_ =	shalt  }
0x82: {  	_ =	shalt  }
0x83: {  	_ =	shalt  }
0x84: {  	_ =	shalt  }
0x85: {  	_ =	shalt  }
0x86: {  	_ =	shalt  }
0x87: {  	_ =	shalt  }
.Lfunc_end0:
.L_simem_size_0:
called_computation_lowered:
.L_overlay_start_0:
0x88: {  	s2 =	sld [smem:$0x3FD9]  }
0x89: {  	s3 =	sld [smem:$0x3FFE];
	_ =	sdelay $0x1  }
0x8a: {  	s1 =	srdreg.scid  }
0x8b: {  	s0 =	sand.u32 $0x1, s1  }
0x8c: {  	s14 =	sshll.u32 s0, $0xA;
	s2 =	sadd.s32 s3, s2  }
0x8d: {  	s2 =	sadd.s32 s2, s14  }
0x8e: {  	[smem:$0x3FC2] =	sst s2  }
0x8f: {  	_ = 	snop  }
0x90: {  	s2 =	sld [smem:$0x3FD0];
	_ =	sdelay $0x2  }
0x91: {  	s15 =	simm.s32 $0xA;
	s4 =	simm.s32 $0x10  }
0x92: {  	[smem:s4], [sflag:s15] =	dma.local [hbm:s2], $0x1  }
0x93: {  	_ =	swait.eq [sflag:s15], $0x1  }
0x94: {  	[sflag:s15] =	ssyncset.done $0x0  }
0x95: {  	[sflag:s15] =	ssyncadd.s32 $0xFFFFFFFF  }
0x96: {  	s16 =	sld [smem:$0x10];
	(tm) =	ssettm $0x1  }
0x97: {  	s17 =	sld [smem:$0x3FFB];
	_ =	sdelay $0x3  }
0x98: {  	_ =	strace s17  }
0x99: {  	s3 =	sld [smem:$0x3FFC];
	_ =	sdelay $0x3  }
0x9a: {  	_ =	strace s3  }
0x9b: {  	s3 =	sld [smem:$0x3FFD];
	_ =	sdelay $0x3  }
0x9c: {  	_ =	strace s3  }
0x9d: {  	_ =	strace $0x8FFFFFFF  }
0x9e: {  	s18 =	sld [smem:$0x3FDB];
	_ =	sdelay $0x1  }
0x9f: {  	s19 =	simm.s32 $_scs_section_size  }
0xa0: {  	s5 =	simm.s32 $_size__tile_overlayer_lowered;
	s6 =	simm.s32 $_tile_overlayer_lowered  }
0xa1: {  	s22 =	simm.s32 $0x1BFF;
	s21 =	sshll.u32 s6, $0x1;
	s3 =	sadd.s32 s19, s18  }
0xa2: {  	s7 =	simm.s32 $0x0;
	s20 =	sshll.u32 s5, $0x1;
	s5 =	sadd.s32 s21, s3  }
0xa3: {  	[timem:s7], [sflag:s22] =	dma.local [hbm:s5], s20  }
0xa4: {  	_ =	swait.ge [sflag:s22], s20  }
0xa5: {  	s4 =	ssub.s32 $0x0, s20;
	[sflag:s22] =	ssyncset.done $0x0  }
0xa6: {  	[sflag:s22] =	ssyncadd.s32 s4;
	_ =	sdelay $0x1  }
0xa7: {  	s23 =	simm.s32 $0x1B8B  }
0xa8: {  	_ =	swait.ge [sflag:s23], $0x1  }
0xa9: {  	[sflag:s23] =	ssyncset.done $0x0  }
0xaa: {  	s25 =	simm.s32 $0x1B8E;
	s24 =	sld [smem:$0x3FFE];
	[sflag:s23] =	ssyncadd.s32 $0xFFFFFFFF  }
0xab: {  	s26 =	simm.s32 $execute0_lowered;
	[smem:$0x3FD2] =	sst s25  }
0xac: {  	s5 =	sshll.u32 s26, $0x1;
	_ =	strace $0x80000046;
	[dreg:$0x1] =	wrdreg $0xFFFFFFFF  }
0xad: {  	s28 =	simm.s32 $_size_execute0_lowered;
	s3 =	sadd.s32 s3, s5;
	[dreg:$0x0] =	wrdreg $0x0  }
0xae: {  	s5 =	sshll.u32 s28, $0x1;
	[dreg:$0x2] =	wrdreg s3  }
0xaf: {  	[dreg:$0x3] =	wrdreg s5  }
0xb0: {  	[dreg:$0x4] =	wrdreg $0xC0  }
0xb1: {  	_ =	task [dreg:s7], $0x5FFFF  }
0xb2: {  	[dreg:$0x1] =	wrdreg $0xFFFFFFFF  }
0xb3: {  	[dreg:$0x0] =	wrdreg $0x60  }
0xb4: {  	[dreg:$0x2] =	wrdreg s16  }
0xb5: {  	[dreg:$0x3] =	wrdreg s24  }
0xb6: {  	[dreg:$0x4] =	wrdreg $0x9  }
0xb7: {  	_ =	task.clear_ibuf [dreg:s7], $0x5FFFF;
	_ =	strace $0x90000046  }
0xb8: {  	s29 =	simm.s32 $0x9;
	_ =	strace $0x80000048  }
0xb9: {  	_ =	swait.ge [sflag:s29], $0x1  }
0xba: {  	[sflag:s29] =	ssyncadd.s32 $0xFFFFFFFF  }
0xbb: {  	_ =	strace $0x90000048  }
0xbc: {  	_ =	sfence  }
0xbd: {  	s30 =	sld [smem:$0x0];
	_ =	sdelay $0x2  }
0xbe: {  	s31 =	sshll.u32 s1, $0xD;
	s1 =	sshrl.u32 s1, $0x2  }
0xbf: {  	s3 =	sand.u32 $0x4000, s31;
	s1 =	sadd.s32 s1, s30  }
0xc0: {  	s0 =	sor.u32 s3, s0;
	s1 =	sshll.u32 s1, $0x11  }
0xc1: {  	s0 =	sor.u32 s1, s0  }
0xc2: {  	s0 =	sadd.s32 $0x8F2B, s0  }
0xc3: {  	[sflag:s0] =	ssyncadd.remote.s32 $0x1  }
0xc4: {  	_ =	sfence.sel $0xFFFF  }
0xc5: {  	[dreg:$0x0] =	wrdreg $0xFFFFFFFF;
	(pc) =	sbr.abs _section_cstart, $3  }
0xc6: {  	[dreg:$0x1] =	wrdreg $0xFFFFFFFF  }
0xc7: {  	_ =	task.clear_ibuf [dreg:s7], $0x2FFFF;
	_ =	strace $0x9FFFFFFF  }
0xc8: {  	(tm) =	ssettm $0x7FFFFFFF  }
0xc9: {  	_ =	shalt  }
tec
execute0_lowered:
.L_overlay_start_1:
0x0: {  	(tag) =	ssettag $0x1  }
0x1: {  	s0 =	srdreg.scid;
	s1 =	rddreg [dreg:$0x0]  }
0x2: {  	s2 =	stileid.u32;
	s4 =	rddreg [dreg:$0x1]  }
0x3: {  	s23 =	simm.s32 $0x10000;
	s24 =	simm.s32 $0x10080;
	s25 =	simm.s32 $0x10100  }
0x4: {  	s26 =	simm.s32 $0x10180;
	s11 =	simm.s32 $0xE800;
	s12 =	simm.s32 $0xF000  }
0x5: {  	s13 =	simm.s32 $0xF800;
	s14 =	simm.s32 $0x2;
	s28 =	simm.s32 $0x6000  }
0x6: {  	s29 =	simm.s32 $0x6800;
	s30 =	simm.s32 $0x7000;
	s31 =	simm.s32 $0x7800  }
0x7: {  	s0 =	sand.u32 $0x1, s0;
	s3 =	sshll.u32 s2, $0x8;
	s2 =	simm.s32 $0x0  }
0x8: {  	s6 =	sadd.s32 $0x1A00, s4;
	s8 =	sadd.s32 $0x1C00, s4;
	[smem:$0x7FF] =	sst s2  }
0x9: {  	s5 =	sshll.u32 s0, $0x7;
	_ =	strace $0x80000047;
	[dreg:$0x9] =	wrdreg s23  }
0xa: {  	s0 =	ssub.s32 $0x2, s0;
	s5 =	sor.u32 s5, s3;
	[dreg:$0xa] =	wrdreg s24  }
0xb: {  	s3 =	sadd.s32 $0x1E00, s4;
	s10 =	sshrl.u32 s0, $0x1;
	[dreg:$0xb] =	wrdreg s25  }
0xc: {  	s4 =	sadd.s32 $0x1F00, s4;
	[dreg:$0xc] =	wrdreg s26;
	s23 =	simm.s32 $0x8000  }
0xd: {  	s24 =	simm.s32 $0x4800;
	s25 =	simm.s32 $0x5000;
	s26 =	simm.s32 $0x5800  }
0xe: {  	s7 =	sshrl.u32 s5, $0x3;
	s19 =	sshll.u32 s5, $0x6;
	s5 =	sor.u32 $0x40, s5  }
0xf: {  	s0 =	ssub.s32 s0, s10;
	s10 =	simm.s32 $0xE000;
	s9 =	sadd.s32 s6, s7  }
0x10: {  	s7 =	sadd.s32 s8, s7;
	s20 =	sadd.s32 s1, s19;
	[dreg:$0x3] =	wrdreg s9  }
0x11: {  	s21 =	sshrl.u32 s5, $0x3;
	s5 =	sshll.u32 s5, $0x6;
	[dreg:$0x4] =	wrdreg s7  }
0x12: {  	[dreg:$0x5] =	wrdreg s20;
	s6 =	sadd.s32 s6, s21;
	s22 =	sadd.s32 s8, s21  }
0x13: {  	s1 =	sadd.s32 s1, s5;
	s5 =	smax.u32 s0, $0x1;
	[dreg:$0x6] =	wrdreg s6  }
0x14: {  	v2 =	vlaneseq.u32;
	s7 =	simm.s32 $0x1;
	s0 =	simm.s32 $0xC800;
	[dreg:$0x7] =	wrdreg s22  }
0x15: {  	vm0 =	vmmov $0xffff;
	v1 =	vshrl.u32 v2, $0x3;
	s8 =	simm.s32 $0xD000;
	s9 =	simm.s32 $0xD800;
	[dreg:$0x8] =	wrdreg s1  }
0x16: {  	v0 =	vand.u32 $0x7, v2;
	v2 =	vor.u32 $0x8, v2;
	v1 =	vmul.u32 $0x8, v1;
	s6 =	simm.s32 $0x3;
	s1 =	simm.s32 $0xC000;
	s22 =	simm.s32 $0x4000  }
.LBB2_1:
0x17: {  	s15 =	rddreg [dreg:$0x3]  }
0x18: {  	s16 =	rddreg [dreg:$0x9]  }
0x19: {  	[tilespmem:s16], [sflag:$0x3] =	stream.linear.gather [hbm4b:s15+s2], $0x40, $0x38;
	[tilespmem:$0x10200] =	vst v63  }
0x1a: {  	_ =	swait.ge [sflag:s6], $0x40  }
0x1b: {  	s20 =	rddreg [dreg:$0x4];
	[sflag:s6] =	ssyncset.done $0x0  }
0x1c: {  	s21 =	rddreg [dreg:$0xa];
	[sflag:s6] =	ssyncadd.s32 $0xFFFFFFC0  }
0x1d: {  	[tilespmem:s21], [sflag:$0x3] =	stream.linear.gather [hbm4b:s20+s2], $0x40, $0x38;
	[tilespmem:$0x10200] =	vst v63  }
0x1e: {  	_ =	swait.ge [sflag:s6], $0x40  }
0x1f: {  	[sflag:s6] =	ssyncset.done $0x0  }
0x20: {  	s16 =	rddreg [dreg:$0x5];
	[sflag:s6] =	ssyncadd.s32 $0xFFFFFFC0  }
0x21: {  	[tilespmem:s2], [sflag:$0x1] =	stream.linear.gather [hbm4b:s16+s2], $0x8000, $0x38;
	[tilespmem:$0x10200] =	vst v63  }
0x22: {  	_ =	swait.ge [sflag:s7], $0x8000  }
0x23: {  	[sflag:s7] =	ssyncset.done $0x0  }
0x24: {  	[sflag:s7] =	ssyncadd.s32 $0xFFFF8000  }
0x25: {  	v3 =	vld [tilespmem:$0x10000];
	_ =	sdelay $0x4  }
0x26: {  	v4 =	vshll.u32 v3, $0x2  }
0x27: {  	v3 =	vand.u32 $0x7, v3;
	v4 =	vand.u32 $0xFFFFFFE0, v4  }
0x28: {  	v3 =	vor.u32 v3, v4  }
0x29: {  	v4 =	vperm.xlane v3, v0;
	_ =	sdelay $0x1  }
0x2a: {  	v4 =	vadd.s32 v1, v4;
	_ =	sdelay $0x1  }
0x2b: {  	v3 =	vperm.xlane v3, v2;
	_ =	sdelay $0x1  }
0x2c: {  	v3 =	vadd.s32 v1, v3  }
0x2d: {  	[hbm4b:s3+s2] =	stream.indirect_vreg.scatter [tilespmem:s2], [sflag:$0x2], $0x80, v4, vm0, $0xb8;
	[tilespmem:$0x10200] =	vst v63  }
0x2e: {  	s15 =	simm.s32 $0x800  }
0x2f: {  	[hbm4b:s4+s2] =	stream.indirect_vreg.scatter [tilespmem:s15], [sflag:$0x2], $0x80, v4, vm0, $0xb8;
	[tilespmem:$0x10200] =	vst v63  }
0x30: {  	s16 =	simm.s32 $0x1000  }
0x31: {  	[hbm4b:s3+s2] =	stream.indirect_vreg.scatter [tilespmem:s16], [sflag:$0x2], $0x80, v3, vm0, $0xb8;
	[tilespmem:$0x10200] =	vst v63  }
0x32: {  	s17 =	simm.s32 $0x1800  }
0x33: {  	[hbm4b:s4+s2] =	stream.indirect_vreg.scatter [tilespmem:s17], [sflag:$0x2], $0x80, v3, vm0, $0xb8;
	[tilespmem:$0x10200] =	vst v63  }
0x34: {  	v3 =	vld [tilespmem:$0x10010];
	_ =	sdelay $0x4  }
0x35: {  	v49 =	vshll.u32 v3, $0x2  }
0x36: {  	v3 =	vand.u32 $0x7, v3;
	v4 =	vand.u32 $0xFFFFFFE0, v49  }
0x37: {  	v3 =	vor.u32 v3, v4  }
0x38: {  	v4 =	vperm.xlane v3, v0;
	_ =	sdelay $0x1  }
0x39: {  	v4 =	vadd.s32 v1, v4;
	_ =	sdelay $0x1  }
0x3a: {  	v3 =	vperm.xlane v3, v2;
	_ =	sdelay $0x1  }
0x3b: {  	s18 =	simm.s32 $0x2000;
	v3 =	vadd.s32 v1, v3  }
0x3c: {  	[hbm4b:s3+s2] =	stream.indirect_vreg.scatter [tilespmem:s18], [sflag:$0x2], $0x80, v4, vm0, $0xb8;
	[tilespmem:$0x10200] =	vst v63  }
0x3d: {  	s19 =	simm.s32 $0x2800  }
0x3e: {  	[hbm4b:s4+s2] =	stream.indirect_vreg.scatter [tilespmem:s19], [sflag:$0x2], $0x80, v4, vm0, $0xb8;
	[tilespmem:$0x10200] =	vst v63  }
0x3f: {  	s20 =	simm.s32 $0x3000  }
0x40: {  	[hbm4b:s3+s2] =	stream.indirect_vreg.scatter [tilespmem:s20], [sflag:$0x2], $0x80, v3, vm0, $0xb8;
	[tilespmem:$0x10200] =	vst v63  }
0x41: {  	s21 =	simm.s32 $0x3800  }
0x42: {  	[hbm4b:s4+s2] =	stream.indirect_vreg.scatter [tilespmem:s21], [sflag:$0x2], $0x80, v3, vm0, $0xb8;
	[tilespmem:$0x10200] =	vst v63  }
0x43: {  	v3 =	vld [tilespmem:$0x10020];
	_ =	sdelay $0x4  }
0x44: {  	v50 =	vshll.u32 v3, $0x2  }
0x45: {  	v3 =	vand.u32 $0x7, v3;
	v4 =	vand.u32 $0xFFFFFFE0, v50  }
0x46: {  	v3 =	vor.u32 v3, v4  }
0x47: {  	v4 =	vperm.xlane v3, v0;
	_ =	sdelay $0x1  }
0x48: {  	v4 =	vadd.s32 v1, v4;
	_ =	sdelay $0x1  }
0x49: {  	v3 =	vperm.xlane v3, v2;
	_ =	sdelay $0x1  }
0x4a: {  	v3 =	vadd.s32 v1, v3  }
0x4b: {  	[hbm4b:s3+s2] =	stream.indirect_vreg.scatter [tilespmem:s22], [sflag:$0x2], $0x80, v4, vm0, $0xb8;
	[tilespmem:$0x10200] =	vst v63  }
0x4c: {  	_ = 	snop  }
0x4d: {  	[hbm4b:s4+s2] =	stream.indirect_vreg.scatter [tilespmem:s24], [sflag:$0x2], $0x80, v4, vm0, $0xb8;
	[tilespmem:$0x10200] =	vst v63  }
0x4e: {  	_ = 	snop  }
0x4f: {  	[hbm4b:s3+s2] =	stream.indirect_vreg.scatter [tilespmem:s25], [sflag:$0x2], $0x80, v3, vm0, $0xb8;
	[tilespmem:$0x10200] =	vst v63  }
0x50: {  	_ = 	snop  }
0x51: {  	[hbm4b:s4+s2] =	stream.indirect_vreg.scatter [tilespmem:s26], [sflag:$0x2], $0x80, v3, vm0, $0xb8;
	[tilespmem:$0x10200] =	vst v63  }
0x52: {  	v3 =	vld [tilespmem:$0x10030];
	_ =	sdelay $0x4  }
0x53: {  	v51 =	vshll.u32 v3, $0x2  }
0x54: {  	v3 =	vand.u32 $0x7, v3;
	v4 =	vand.u32 $0xFFFFFFE0, v51  }
0x55: {  	v3 =	vor.u32 v3, v4  }
0x56: {  	v4 =	vperm.xlane v3, v0;
	_ =	sdelay $0x1  }
0x57: {  	v4 =	vadd.s32 v1, v4;
	_ =	sdelay $0x1  }
0x58: {  	v3 =	vperm.xlane v3, v2;
	_ =	sdelay $0x1  }
0x59: {  	v3 =	vadd.s32 v1, v3  }
0x5a: {  	[hbm4b:s3+s2] =	stream.indirect_vreg.scatter [tilespmem:s28], [sflag:$0x2], $0x80, v4, vm0, $0xb8;
	[tilespmem:$0x10200] =	vst v63  }
0x5b: {  	_ = 	snop  }
0x5c: {  	[hbm4b:s4+s2] =	stream.indirect_vreg.scatter [tilespmem:s29], [sflag:$0x2], $0x80, v4, vm0, $0xb8;
	[tilespmem:$0x10200] =	vst v63  }
0x5d: {  	_ = 	snop  }
0x5e: {  	[hbm4b:s3+s2] =	stream.indirect_vreg.scatter [tilespmem:s30], [sflag:$0x2], $0x80, v3, vm0, $0xb8;
	[tilespmem:$0x10200] =	vst v63  }
0x5f: {  	_ = 	snop  }
0x60: {  	[hbm4b:s4+s2] =	stream.indirect_vreg.scatter [tilespmem:s31], [sflag:$0x2], $0x80, v3, vm0, $0xb8;
	[tilespmem:$0x10200] =	vst v63  }
0x61: {  	v3 =	vld [tilespmem:$0x10080];
	_ =	sdelay $0x4  }
0x62: {  	v52 =	vshll.u32 v3, $0x2  }
0x63: {  	v3 =	vand.u32 $0x7, v3;
	v4 =	vand.u32 $0xFFFFFFE0, v52  }
0x64: {  	v3 =	vor.u32 v3, v4  }
0x65: {  	v4 =	vperm.xlane v3, v0;
	_ =	sdelay $0x1  }
0x66: {  	v4 =	vadd.s32 v1, v4;
	_ =	sdelay $0x1  }
0x67: {  	v3 =	vperm.xlane v3, v2;
	_ =	sdelay $0x1  }
0x68: {  	v3 =	vadd.s32 v1, v3  }
0x69: {  	[hbm4b:s3+s2] =	stream.indirect_vreg.scatter [tilespmem:s2], [sflag:$0x2], $0x80, v4, vm0, $0xb8;
	[tilespmem:$0x10200] =	vst v63  }
0x6a: {  	_ = 	snop  }
0x6b: {  	[hbm4b:s4+s2] =	stream.indirect_vreg.scatter [tilespmem:s15], [sflag:$0x2], $0x80, v4, vm0, $0xb8;
	[tilespmem:$0x10200] =	vst v63  }
0x6c: {  	_ = 	snop  }
0x6d: {  	[hbm4b:s3+s2] =	stream.indirect_vreg.scatter [tilespmem:s16], [sflag:$0x2], $0x80, v3, vm0, $0xb8;
	[tilespmem:$0x10200] =	vst v63  }
0x6e: {  	_ = 	snop  }
0x6f: {  	[hbm4b:s4+s2] =	stream.indirect_vreg.scatter [tilespmem:s17], [sflag:$0x2], $0x80, v3, vm0, $0xb8;
	[tilespmem:$0x10200] =	vst v63  }
0x70: {  	v3 =	vld [tilespmem:$0x10090];
	_ =	sdelay $0x4  }
0x71: {  	v53 =	vshll.u32 v3, $0x2  }
0x72: {  	v3 =	vand.u32 $0x7, v3;
	v4 =	vand.u32 $0xFFFFFFE0, v53  }
0x73: {  	v3 =	vor.u32 v3, v4  }
0x74: {  	v4 =	vperm.xlane v3, v0;
	_ =	sdelay $0x1  }
0x75: {  	v4 =	vadd.s32 v1, v4;
	_ =	sdelay $0x1  }
0x76: {  	v3 =	vperm.xlane v3, v2;
	_ =	sdelay $0x1  }
0x77: {  	v3 =	vadd.s32 v1, v3  }
0x78: {  	[hbm4b:s3+s2] =	stream.indirect_vreg.scatter [tilespmem:s18], [sflag:$0x2], $0x80, v4, vm0, $0xb8;
	[tilespmem:$0x10200] =	vst v63  }
0x79: {  	_ = 	snop  }
0x7a: {  	[hbm4b:s4+s2] =	stream.indirect_vreg.scatter [tilespmem:s19], [sflag:$0x2], $0x80, v4, vm0, $0xb8;
	[tilespmem:$0x10200] =	vst v63  }
0x7b: {  	_ = 	snop  }
0x7c: {  	[hbm4b:s3+s2] =	stream.indirect_vreg.scatter [tilespmem:s20], [sflag:$0x2], $0x80, v3, vm0, $0xb8;
	[tilespmem:$0x10200] =	vst v63  }
0x7d: {  	_ = 	snop  }
0x7e: {  	[hbm4b:s4+s2] =	stream.indirect_vreg.scatter [tilespmem:s21], [sflag:$0x2], $0x80, v3, vm0, $0xb8;
	[tilespmem:$0x10200] =	vst v63  }
0x7f: {  	v3 =	vld [tilespmem:$0x100A0];
	_ =	sdelay $0x4  }
0x80: {  	v54 =	vshll.u32 v3, $0x2  }
0x81: {  	v3 =	vand.u32 $0x7, v3;
	v4 =	vand.u32 $0xFFFFFFE0, v54  }
0x82: {  	v3 =	vor.u32 v3, v4  }
0x83: {  	v4 =	vperm.xlane v3, v0;
	_ =	sdelay $0x1  }
0x84: {  	v4 =	vadd.s32 v1, v4;
	_ =	sdelay $0x1  }
0x85: {  	v3 =	vperm.xlane v3, v2;
	_ =	sdelay $0x1  }
0x86: {  	v3 =	vadd.s32 v1, v3  }
0x87: {  	[hbm4b:s3+s2] =	stream.indirect_vreg.scatter [tilespmem:s22], [sflag:$0x2], $0x80, v4, vm0, $0xb8;
	[tilespmem:$0x10200] =	vst v63  }
0x88: {  	_ = 	snop  }
0x89: {  	[hbm4b:s4+s2] =	stream.indirect_vreg.scatter [tilespmem:s24], [sflag:$0x2], $0x80, v4, vm0, $0xb8;
	[tilespmem:$0x10200] =	vst v63  }
0x8a: {  	_ = 	snop  }
0x8b: {  	[hbm4b:s3+s2] =	stream.indirect_vreg.scatter [tilespmem:s25], [sflag:$0x2], $0x80, v3, vm0, $0xb8;
	[tilespmem:$0x10200] =	vst v63  }
0x8c: {  	_ = 	snop  }
0x8d: {  	[hbm4b:s4+s2] =	stream.indirect_vreg.scatter [tilespmem:s26], [sflag:$0x2], $0x80, v3, vm0, $0xb8;
	[tilespmem:$0x10200] =	vst v63  }
0x8e: {  	v3 =	vld [tilespmem:$0x100B0];
	_ =	sdelay $0x4  }
0x8f: {  	v55 =	vshll.u32 v3, $0x2  }
0x90: {  	v3 =	vand.u32 $0x7, v3;
	v4 =	vand.u32 $0xFFFFFFE0, v55  }
0x91: {  	v3 =	vor.u32 v3, v4  }
0x92: {  	v4 =	vperm.xlane v3, v0;
	_ =	sdelay $0x1  }
0x93: {  	v4 =	vadd.s32 v1, v4;
	_ =	sdelay $0x1  }
0x94: {  	v3 =	vperm.xlane v3, v2;
	_ =	sdelay $0x1  }
0x95: {  	v3 =	vadd.s32 v1, v3  }
0x96: {  	[hbm4b:s3+s2] =	stream.indirect_vreg.scatter [tilespmem:s28], [sflag:$0x2], $0x80, v4, vm0, $0xb8;
	[tilespmem:$0x10200] =	vst v63  }
0x97: {  	_ = 	snop  }
0x98: {  	[hbm4b:s4+s2] =	stream.indirect_vreg.scatter [tilespmem:s29], [sflag:$0x2], $0x80, v4, vm0, $0xb8;
	[tilespmem:$0x10200] =	vst v63  }
0x99: {  	_ = 	snop  }
0x9a: {  	[hbm4b:s3+s2] =	stream.indirect_vreg.scatter [tilespmem:s30], [sflag:$0x2], $0x80, v3, vm0, $0xb8;
	[tilespmem:$0x10200] =	vst v63  }
0x9b: {  	s17 =	rddreg [dreg:$0x6]  }
0x9c: {  	[hbm4b:s4+s2] =	stream.indirect_vreg.scatter [tilespmem:s31], [sflag:$0x2], $0x80, v3, vm0, $0xb8;
	[tilespmem:$0x10200] =	vst v63  }
0x9d: {  	s18 =	rddreg [dreg:$0xb]  }
0x9e: {  	[tilespmem:s18], [sflag:$0x3] =	stream.linear.gather [hbm4b:s17+s2], $0x40, $0x38;
	[tilespmem:$0x10200] =	vst v63  }
0x9f: {  	_ =	swait.ge [sflag:s6], $0x40  }
0xa0: {  	s19 =	rddreg [dreg:$0x7];
	[sflag:s6] =	ssyncset.done $0x0  }
0xa1: {  	s20 =	rddreg [dreg:$0xc];
	[sflag:s6] =	ssyncadd.s32 $0xFFFFFFC0  }
0xa2: {  	[tilespmem:s20], [sflag:$0x3] =	stream.linear.gather [hbm4b:s19+s2], $0x40, $0x38;
	[tilespmem:$0x10200] =	vst v63  }
0xa3: {  	_ =	swait.ge [sflag:s6], $0x40  }
0xa4: {  	[sflag:s6] =	ssyncset.done $0x0  }
0xa5: {  	s21 =	rddreg [dreg:$0x8];
	[sflag:s6] =	ssyncadd.s32 $0xFFFFFFC0  }
0xa6: {  	[tilespmem:s23], [sflag:$0x1] =	stream.linear.gather [hbm4b:s21+s2], $0x8000, $0x38;
	[tilespmem:$0x10200] =	vst v63  }
0xa7: {  	_ =	swait.ge [sflag:s7], $0x8000  }
0xa8: {  	[sflag:s7] =	ssyncset.done $0x0  }
0xa9: {  	[sflag:s7] =	ssyncadd.s32 $0xFFFF8000  }
0xaa: {  	v3 =	vld [tilespmem:$0x10100];
	_ =	sdelay $0x4  }
0xab: {  	v56 =	vshll.u32 v3, $0x2  }
0xac: {  	v3 =	vand.u32 $0x7, v3;
	v4 =	vand.u32 $0xFFFFFFE0, v56  }
0xad: {  	v3 =	vor.u32 v3, v4  }
0xae: {  	v4 =	vperm.xlane v3, v0;
	_ =	sdelay $0x1  }
0xaf: {  	v4 =	vadd.s32 v1, v4;
	_ =	sdelay $0x1  }
0xb0: {  	v3 =	vperm.xlane v3, v2;
	_ =	sdelay $0x1  }
0xb1: {  	v3 =	vadd.s32 v1, v3  }
0xb2: {  	[hbm4b:s3+s2] =	stream.indirect_vreg.scatter [tilespmem:s23], [sflag:$0x2], $0x80, v4, vm0, $0xb8;
	[tilespmem:$0x10200] =	vst v63  }
0xb3: {  	s15 =	simm.s32 $0x8800  }
0xb4: {  	[hbm4b:s4+s2] =	stream.indirect_vreg.scatter [tilespmem:s15], [sflag:$0x2], $0x80, v4, vm0, $0xb8;
	[tilespmem:$0x10200] =	vst v63  }
0xb5: {  	s16 =	simm.s32 $0x9000  }
0xb6: {  	[hbm4b:s3+s2] =	stream.indirect_vreg.scatter [tilespmem:s16], [sflag:$0x2], $0x80, v3, vm0, $0xb8;
	[tilespmem:$0x10200] =	vst v63  }
0xb7: {  	s17 =	simm.s32 $0x9800  }
0xb8: {  	[hbm4b:s4+s2] =	stream.indirect_vreg.scatter [tilespmem:s17], [sflag:$0x2], $0x80, v3, vm0, $0xb8;
	[tilespmem:$0x10200] =	vst v63  }
0xb9: {  	v3 =	vld [tilespmem:$0x10110];
	_ =	sdelay $0x4  }
0xba: {  	v57 =	vshll.u32 v3, $0x2  }
0xbb: {  	v3 =	vand.u32 $0x7, v3;
	v4 =	vand.u32 $0xFFFFFFE0, v57  }
0xbc: {  	v3 =	vor.u32 v3, v4  }
0xbd: {  	v4 =	vperm.xlane v3, v0;
	_ =	sdelay $0x1  }
0xbe: {  	v4 =	vadd.s32 v1, v4;
	_ =	sdelay $0x1  }
0xbf: {  	v3 =	vperm.xlane v3, v2;
	_ =	sdelay $0x1  }
0xc0: {  	s18 =	simm.s32 $0xA000;
	v3 =	vadd.s32 v1, v3  }
0xc1: {  	[hbm4b:s3+s2] =	stream.indirect_vreg.scatter [tilespmem:s18], [sflag:$0x2], $0x80, v4, vm0, $0xb8;
	[tilespmem:$0x10200] =	vst v63  }
0xc2: {  	s19 =	simm.s32 $0xA800  }
0xc3: {  	[hbm4b:s4+s2] =	stream.indirect_vreg.scatter [tilespmem:s19], [sflag:$0x2], $0x80, v4, vm0, $0xb8;
	[tilespmem:$0x10200] =	vst v63  }
0xc4: {  	s20 =	simm.s32 $0xB000  }
0xc5: {  	[hbm4b:s3+s2] =	stream.indirect_vreg.scatter [tilespmem:s20], [sflag:$0x2], $0x80, v3, vm0, $0xb8;
	[tilespmem:$0x10200] =	vst v63  }
0xc6: {  	s21 =	simm.s32 $0xB800  }
0xc7: {  	[hbm4b:s4+s2] =	stream.indirect_vreg.scatter [tilespmem:s21], [sflag:$0x2], $0x80, v3, vm0, $0xb8;
	[tilespmem:$0x10200] =	vst v63  }
0xc8: {  	v3 =	vld [tilespmem:$0x10120];
	_ =	sdelay $0x4  }
0xc9: {  	v58 =	vshll.u32 v3, $0x2  }
0xca: {  	v3 =	vand.u32 $0x7, v3;
	v4 =	vand.u32 $0xFFFFFFE0, v58  }
0xcb: {  	v3 =	vor.u32 v3, v4  }
0xcc: {  	v4 =	vperm.xlane v3, v0;
	_ =	sdelay $0x1  }
0xcd: {  	v4 =	vadd.s32 v1, v4;
	_ =	sdelay $0x1  }
0xce: {  	v3 =	vperm.xlane v3, v2;
	_ =	sdelay $0x1  }
0xcf: {  	v3 =	vadd.s32 v1, v3  }
0xd0: {  	[hbm4b:s3+s2] =	stream.indirect_vreg.scatter [tilespmem:s1], [sflag:$0x2], $0x80, v4, vm0, $0xb8;
	[tilespmem:$0x10200] =	vst v63  }
0xd1: {  	_ = 	snop  }
0xd2: {  	[hbm4b:s4+s2] =	stream.indirect_vreg.scatter [tilespmem:s0], [sflag:$0x2], $0x80, v4, vm0, $0xb8;
	[tilespmem:$0x10200] =	vst v63  }
0xd3: {  	_ = 	snop  }
0xd4: {  	[hbm4b:s3+s2] =	stream.indirect_vreg.scatter [tilespmem:s8], [sflag:$0x2], $0x80, v3, vm0, $0xb8;
	[tilespmem:$0x10200] =	vst v63  }
0xd5: {  	_ = 	snop  }
0xd6: {  	[hbm4b:s4+s2] =	stream.indirect_vreg.scatter [tilespmem:s9], [sflag:$0x2], $0x80, v3, vm0, $0xb8;
	[tilespmem:$0x10200] =	vst v63  }
0xd7: {  	v3 =	vld [tilespmem:$0x10130];
	_ =	sdelay $0x4  }
0xd8: {  	v59 =	vshll.u32 v3, $0x2  }
0xd9: {  	v3 =	vand.u32 $0x7, v3;
	v4 =	vand.u32 $0xFFFFFFE0, v59  }
0xda: {  	v3 =	vor.u32 v3, v4  }
0xdb: {  	v4 =	vperm.xlane v3, v0;
	_ =	sdelay $0x1  }
0xdc: {  	v4 =	vadd.s32 v1, v4;
	_ =	sdelay $0x1  }
0xdd: {  	v3 =	vperm.xlane v3, v2;
	_ =	sdelay $0x1  }
0xde: {  	v3 =	vadd.s32 v1, v3  }
0xdf: {  	[hbm4b:s3+s2] =	stream.indirect_vreg.scatter [tilespmem:s10], [sflag:$0x2], $0x80, v4, vm0, $0xb8;
	[tilespmem:$0x10200] =	vst v63  }
0xe0: {  	_ = 	snop  }
0xe1: {  	[hbm4b:s4+s2] =	stream.indirect_vreg.scatter [tilespmem:s11], [sflag:$0x2], $0x80, v4, vm0, $0xb8;
	[tilespmem:$0x10200] =	vst v63  }
0xe2: {  	_ = 	snop  }
0xe3: {  	[hbm4b:s3+s2] =	stream.indirect_vreg.scatter [tilespmem:s12], [sflag:$0x2], $0x80, v3, vm0, $0xb8;
	[tilespmem:$0x10200] =	vst v63  }
0xe4: {  	_ = 	snop  }
0xe5: {  	[hbm4b:s4+s2] =	stream.indirect_vreg.scatter [tilespmem:s13], [sflag:$0x2], $0x80, v3, vm0, $0xb8;
	[tilespmem:$0x10200] =	vst v63  }
0xe6: {  	v3 =	vld [tilespmem:$0x10180];
	_ =	sdelay $0x4  }
0xe7: {  	v60 =	vshll.u32 v3, $0x2  }
0xe8: {  	v3 =	vand.u32 $0x7, v3;
	v4 =	vand.u32 $0xFFFFFFE0, v60  }
0xe9: {  	v3 =	vor.u32 v3, v4  }
0xea: {  	v4 =	vperm.xlane v3, v0;
	_ =	sdelay $0x1  }
0xeb: {  	v4 =	vadd.s32 v1, v4;
	_ =	sdelay $0x1  }
0xec: {  	v3 =	vperm.xlane v3, v2;
	_ =	sdelay $0x1  }
0xed: {  	v3 =	vadd.s32 v1, v3  }
0xee: {  	[hbm4b:s3+s2] =	stream.indirect_vreg.scatter [tilespmem:s23], [sflag:$0x2], $0x80, v4, vm0, $0xb8;
	[tilespmem:$0x10200] =	vst v63  }
0xef: {  	_ = 	snop  }
0xf0: {  	[hbm4b:s4+s2] =	stream.indirect_vreg.scatter [tilespmem:s15], [sflag:$0x2], $0x80, v4, vm0, $0xb8;
	[tilespmem:$0x10200] =	vst v63  }
0xf1: {  	_ = 	snop  }
0xf2: {  	[hbm4b:s3+s2] =	stream.indirect_vreg.scatter [tilespmem:s16], [sflag:$0x2], $0x80, v3, vm0, $0xb8;
	[tilespmem:$0x10200] =	vst v63  }
0xf3: {  	_ = 	snop  }
0xf4: {  	[hbm4b:s4+s2] =	stream.indirect_vreg.scatter [tilespmem:s17], [sflag:$0x2], $0x80, v3, vm0, $0xb8;
	[tilespmem:$0x10200] =	vst v63  }
0xf5: {  	v3 =	vld [tilespmem:$0x10190];
	_ =	sdelay $0x4  }
0xf6: {  	v61 =	vshll.u32 v3, $0x2  }
0xf7: {  	v3 =	vand.u32 $0x7, v3;
	v4 =	vand.u32 $0xFFFFFFE0, v61  }
0xf8: {  	v3 =	vor.u32 v3, v4  }
0xf9: {  	v4 =	vperm.xlane v3, v0;
	_ =	sdelay $0x1  }
0xfa: {  	v4 =	vadd.s32 v1, v4;
	_ =	sdelay $0x1  }
0xfb: {  	v3 =	vperm.xlane v3, v2;
	_ =	sdelay $0x1  }
0xfc: {  	v3 =	vadd.s32 v1, v3  }
0xfd: {  	[hbm4b:s3+s2] =	stream.indirect_vreg.scatter [tilespmem:s18], [sflag:$0x2], $0x80, v4, vm0, $0xb8;
	[tilespmem:$0x10200] =	vst v63  }
0xfe: {  	_ = 	snop  }
0xff: {  	[hbm4b:s4+s2] =	stream.indirect_vreg.scatter [tilespmem:s19], [sflag:$0x2], $0x80, v4, vm0, $0xb8;
	[tilespmem:$0x10200] =	vst v63  }
0x100: {  	_ = 	snop  }
0x101: {  	[hbm4b:s3+s2] =	stream.indirect_vreg.scatter [tilespmem:s20], [sflag:$0x2], $0x80, v3, vm0, $0xb8;
	[tilespmem:$0x10200] =	vst v63  }
0x102: {  	_ = 	snop  }
0x103: {  	[hbm4b:s4+s2] =	stream.indirect_vreg.scatter [tilespmem:s21], [sflag:$0x2], $0x80, v3, vm0, $0xb8;
	[tilespmem:$0x10200] =	vst v63  }
0x104: {  	v3 =	vld [tilespmem:$0x101A0];
	_ =	sdelay $0x4  }
0x105: {  	v62 =	vshll.u32 v3, $0x2  }
0x106: {  	v3 =	vand.u32 $0x7, v3;
	v4 =	vand.u32 $0xFFFFFFE0, v62  }
0x107: {  	v3 =	vor.u32 v3, v4  }
0x108: {  	v4 =	vperm.xlane v3, v0;
	_ =	sdelay $0x1  }
0x109: {  	v4 =	vadd.s32 v1, v4;
	_ =	sdelay $0x1  }
0x10a: {  	v3 =	vperm.xlane v3, v2;
	_ =	sdelay $0x1  }
0x10b: {  	v3 =	vadd.s32 v1, v3  }
0x10c: {  	[hbm4b:s3+s2] =	stream.indirect_vreg.scatter [tilespmem:s1], [sflag:$0x2], $0x80, v4, vm0, $0xb8;
	[tilespmem:$0x10200] =	vst v63  }
0x10d: {  	_ = 	snop  }
0x10e: {  	[hbm4b:s4+s2] =	stream.indirect_vreg.scatter [tilespmem:s0], [sflag:$0x2], $0x80, v4, vm0, $0xb8;
	[tilespmem:$0x10200] =	vst v63  }
0x10f: {  	_ = 	snop  }
0x110: {  	[hbm4b:s3+s2] =	stream.indirect_vreg.scatter [tilespmem:s8], [sflag:$0x2], $0x80, v3, vm0, $0xb8;
	[tilespmem:$0x10200] =	vst v63  }
0x111: {  	_ = 	snop  }
0x112: {  	[hbm4b:s4+s2] =	stream.indirect_vreg.scatter [tilespmem:s9], [sflag:$0x2], $0x80, v3, vm0, $0xb8;
	[tilespmem:$0x10200] =	vst v63  }
0x113: {  	v3 =	vld [tilespmem:$0x101B0];
	_ =	sdelay $0x4  }
0x114: {  	v63 =	vshll.u32 v3, $0x2  }
0x115: {  	v3 =	vand.u32 $0x7, v3;
	v4 =	vand.u32 $0xFFFFFFE0, v63  }
0x116: {  	v3 =	vor.u32 v3, v4  }
0x117: {  	v4 =	vperm.xlane v3, v0;
	_ =	sdelay $0x1  }
0x118: {  	v4 =	vadd.s32 v1, v4;
	_ =	sdelay $0x1  }
0x119: {  	v3 =	vperm.xlane v3, v2;
	_ =	sdelay $0x1  }
0x11a: {  	v3 =	vadd.s32 v1, v3  }
0x11b: {  	[hbm4b:s3+s2] =	stream.indirect_vreg.scatter [tilespmem:s10], [sflag:$0x2], $0x80, v4, vm0, $0xb8;
	[tilespmem:$0x10200] =	vst v63  }
0x11c: {  	_ = 	snop  }
0x11d: {  	[hbm4b:s4+s2] =	stream.indirect_vreg.scatter [tilespmem:s11], [sflag:$0x2], $0x80, v4, vm0, $0xb8;
	[tilespmem:$0x10200] =	vst v63  }
0x11e: {  	_ = 	snop  }
0x11f: {  	[hbm4b:s3+s2] =	stream.indirect_vreg.scatter [tilespmem:s12], [sflag:$0x2], $0x80, v3, vm0, $0xb8;
	[tilespmem:$0x10200] =	vst v63  }
0x120: {  	_ = 	snop  }
0x121: {  	[hbm4b:s4+s2] =	stream.indirect_vreg.scatter [tilespmem:s13], [sflag:$0x2], $0x80, v3, vm0, $0xb8;
	[tilespmem:$0x10200] =	vst v63  }
0x122: {  	_ =	swait.ge [sflag:s14], $0x8000  }
0x123: {  	[sflag:s14] =	ssyncset.done $0x0  }
0x124: {  	[sflag:s14] =	ssyncadd.s32 $0xFFFF8000  }
0x125: {  	_ =	swait.ge [sflag:s14], $0x8000  }
0x126: {  	[sflag:s14] =	ssyncset.done $0x0  }
0x127: {  	[sflag:s14] =	ssyncadd.s32 $0xFFFF8000  }
0x128: {  	p0 =	sne.s32 s5, $0x1;
	_ =	swait.ge [sflag:s14], $0x8000  }
.Ltmp0:
0x129: {  	[sflag:s14] =	ssyncset.done $0x0;
	(pc) =	sbr.rel @p0 .LBB2_1-.Ltmp0, $4  }
0x12a: {  	[sflag:s14] =	ssyncadd.s32 $0xFFFF8000  }
0x12b: {  	_ =	swait.ge [sflag:s14], $0x8000  }
0x12c: {  	[sflag:s14] =	ssyncset.done $0x0  }
0x12d: {  	s5 =	sadd.s32 $0xFFFFFFFF, s5;
	[sflag:s14] =	ssyncadd.s32 $0xFFFF8000  }
0x12e: {  	_ =	sfence.sel $0x180000  }
0x12f: {  	[bflag:$0x0] =	sbarrier.arrive $0xFFFF  }
0x130: {  	_ =	strace $0x90000047  }
0x131: {  	s0 =	stileid.u32;
	[bflag:$0x2] =	sbarrier.arrive $0xFFFF  }
0x132: {  	p0 =	sne.s32 s0, $0x0;
	s0 =	rddreg [dreg:$0x2]  }
0x133: {  	s0 =	sadd.s32 @!p0 $0x100000, s0  }
0x134: {  	[sflag:s0] =	ssyncadd.tile.s32 @!p0 $0x1;
	_ =	shalt  }
.Lfunc_end2:
_tile_overlayer_lowered:
.L_overlay_start_2:
0x135: {  	(tag) =	ssettag $0x2  }
0x136: {  	s0 =	rddreg [dreg:$0x0];
	s2 =	stileid.u32  }
0x137: {  	s1 =	rddreg [dreg:$0x1];
	p0 =	sne.s32 s2, $0x0  }
0x138: {  	s3 =	rddreg [dreg:$0x2];
	[bflag:$0x3] =	sbarrier.arrive $0xFFFF;
	s2 =	simm.s32 @!p0 $0x1C03  }
0x139: {  	[timem:s3], [sflag:s2] =	dma.local @!p0 [hbm:s0], s1  }
0x13a: {  	s0 =	simm.s32 @!p0 $0x3  }
0x13b: {  	_ =	swait.ge @!p0 [sflag:s0], s1  }
0x13c: {  	s1 =	ssub.s32 @!p0 $0x0, s1;
	[sflag:s0] =	ssyncset.done @!p0 $0x0  }
0x13d: {  	[sflag:s0] =	ssyncadd.s32 @!p0 s1  }
0x13e: {  	[bflag:$0x3] =	sbarrier.arrive $0xFFFF  }
0x13f: {  	_ =	shalt  }

</sc_bundles>
